<compile_context>
chip_gen: v7x
topology: tpu7x:2x2x1
jax: 0.10.2.dev20260603
libtpu: 0.0.44.dev20260713+nightly
codegen_flags: <defaults>
</compile_context>

<pallas_src>
import functools

import jax
import jax.numpy as jnp
from jax import lax
from jax.experimental import pallas as pl
from jax.experimental.pallas import tpu as pltpu
from jax.experimental.pallas import tpu_sc as plsc

NBINS = 2048
NROW, NCOL = 4096, 4096
NC, NS, L = 2, 16, 16
NW = NC * NS
ROWS_W = NROW // NW
NCHUNK = ROWS_W
VPR = NCOL // L
UNR = 4
NBUF = 4
MMB = 512

_mesh = plsc.VectorSubcoreMesh(core_axis_name="c", subcore_axis_name="s")


def _mm_body(x_ref, mm_ref, amn_ref, amx_ref):
    i = pl.program_id(0)
    xb = x_ref[...].reshape(MMB // 8, 8, NCOL // 128, 128)
    bm = jnp.min(xb, axis=(0, 2))
    bx = jnp.max(xb, axis=(0, 2))

    @pl.when(i == 0)
    def _():
        amn_ref[...] = bm
        amx_ref[...] = bx

    @pl.when(i > 0)
    def _():
        amn_ref[...] = jnp.minimum(amn_ref[...], bm)
        amx_ref[...] = jnp.maximum(amx_ref[...], bx)

    @pl.when(i == NROW // MMB - 1)
    def _():
        for j in range(2, L):
            mm_ref[0, j] = 0.0
        mm_ref[0, 0] = jnp.min(amn_ref[...])
        mm_ref[0, 1] = jnp.max(amx_ref[...])


_mm_tc = pl.pallas_call(
    _mm_body,
    grid=(NROW // MMB,),
    in_specs=[pl.BlockSpec((MMB, NCOL), lambda i: (i, 0))],
    out_specs=pl.BlockSpec(memory_space=pltpu.SMEM),
    out_shape=jax.ShapeDtypeStruct((1, L), jnp.float32),
    scratch_shapes=[
        pltpu.VMEM((8, 128), jnp.float32),
        pltpu.VMEM((8, 128), jnp.float32),
    ],
)


@functools.partial(
    pl.kernel,
    out_type=[
        jax.ShapeDtypeStruct((NW * NBINS,), jnp.float32),
    ],
    mesh=_mesh,
    scratch_types=[pltpu.VMEM((NCOL,), jnp.float32) for _ in range(NBUF)] + [
        pltpu.VMEM((NBINS,), jnp.float32),
    ] + [pltpu.VMEM((NBINS,), jnp.float32) for _ in range(UNR)] + [
        pltpu.VMEM((L,), jnp.float32),
    ] + [pltpu.SemaphoreType.DMA for _ in range(NBUF)],
    compiler_params=pltpu.CompilerParams(needs_layout_passes=False),
)
def _hist_k(x_hbm, mnmx_hbm, part_out,
            buf0, buf1, buf2, buf3, hist_v, h0, h1, h2, h3,
            red_v, sem0, sem1, sem2, sem3):
    bufs = (buf0, buf1, buf2, buf3)
    hists = (h0, h1, h2, h3)
    sems = (sem0, sem1, sem2, sem3)
    wid = lax.axis_index("s") * NC + lax.axis_index("c")
    base = wid * ROWS_W

    for b in range(NBUF):
        pltpu.async_copy(x_hbm.at[base + b], bufs[b], sems[b])

    pltpu.sync_copy(mnmx_hbm.at[0], red_v)
    v = red_v[...]
    mn = v[0]
    mx = v[1]
    rng = mx - mn
    rng = jnp.where(rng == 0.0, 1.0, rng)
    vrng = jnp.full((L,), 1.0, jnp.float32) * rng
    scale = jnp.full((L,), float(NBINS) * (1.0 - 2.0 ** -19), jnp.float32) / vrng
    shift = (-mn) * scale

    zeros16 = jnp.zeros((L,), jnp.float32)

    def zbody(i, _):
        for h in hists:
            h[pl.ds(i * L, L)] = zeros16
        return 0

    lax.fori_loop(0, NBINS // L, zbody, 0)

    ones16 = jnp.ones((L,), jnp.float32)

    def outer(g, _):
        for b in range(NBUF):
            ci = g * NBUF + b
            pltpu.make_async_copy(x_hbm.at[base + ci], bufs[b], sems[b]).wait()

            @plsc.parallel_loop(0, VPR // UNR, 1)
            def inner(i):
                for u in range(UNR):
                    v = bufs[b][pl.ds((i * UNR + u) * L, L)]
                    s = v * scale + shift
                    idx = s.astype(jnp.int32)
                    plsc.addupdate_scatter(hists[u], [idx], ones16)

            nxt = ci + NBUF

            @pl.when(nxt < NCHUNK)
            def _():
                pltpu.async_copy(x_hbm.at[base + nxt], bufs[b], sems[b])
        return 0

    lax.fori_loop(0, NCHUNK // NBUF, outer, 0)

    def fbody(i, _):
        acc = hists[0][pl.ds(i * L, L)]
        for h in hists[1:]:
            acc = acc + h[pl.ds(i * L, L)]
        hist_v[pl.ds(i * L, L)] = acc
        return 0

    lax.fori_loop(0, NBINS // L, fbody, 0)

    pltpu.sync_copy(hist_v, part_out.at[pl.ds(wid * NBINS, NBINS)])


def kernel(x):
    mm = _mm_tc(x)
    (parts,) = _hist_k(x, mm)
    hist = parts.reshape(NW, NBINS).sum(axis=0)
    return (x, hist, mm[0, 0], mm[0, 1])

# --- scband reference (transcript-rebuilt; emitter-appended) ---
"""Pipeline reference for scband-histogram-quant-11862699671603 (READ-ONLY COPY).

The authoritative reference and input builder live on the scoring server;
editing this copy changes nothing except your own understanding.
"""

import jax, jax.numpy as jnp
import numpy as np

BINS = 2048  # self.bins in HistogramQuant.__init__


def _histc(x, bins, mn, mx):
    # torch.histc equivalent: uniform bins over [mn, mx], clamp to edge bins.
    rng = mx - mn
    rng = jnp.where(rng == 0, jnp.ones_like(rng), rng)
    scaled = (x.reshape(-1) - mn) / rng * bins
    idx = jnp.clip(jnp.floor(scaled).astype(jnp.int32), 0, bins - 1)
    return jnp.zeros((bins,), dtype=jnp.float32).at[idx].add(1.0)


def setup_inputs(seed: int = 0) -> dict:
    key = jax.random.key(seed)
    x = jax.random.normal(key, (4096, 4096), dtype=jnp.float32)
    return {"x": x}


def reference(x):
    # HistogramQuant.forward in observation mode (self._counter > 0 and
    # min_val/max_val uninitialized): the module records min/max of the
    # incoming tensor, builds a self.bins=2048 bin histogram over [min, max]
    # (torch.histc), stores them as observer state, and passes x through
    # unchanged. In functional JAX the state updates (histogram, min, max)
    # are returned explicitly alongside the pass-through output.
    mn = jnp.min(x)
    mx = jnp.max(x)
    hist = _histc(x, BINS, mn, mx)
    return (x, hist, mn, mx)

if __name__ == "__main__":
    import jax
    _d = setup_inputs()
    print(jax.jit(kernel)(*tuple(_d.values())))

</pallas_src>

<mosaic_0001>
#map = affine_map<(d0, d1) -> (0, 0)>
#map1 = affine_map<(d0, d1) -> (0)>
module attributes {stable_mosaic.version = 14 : i64} {
  func.func @_hist_k(%arg0: i32, %arg1: i32, %arg2: memref<4096x4096xf32, #tpu.memory_space<hbm>>, %arg3: memref<1x16xf32, #tpu.memory_space<hbm>>, %arg4: memref<65536xf32, #tpu.memory_space<hbm>>, %arg5: memref<4096xf32, #tpu.memory_space<vmem>>, %arg6: memref<4096xf32, #tpu.memory_space<vmem>>, %arg7: memref<4096xf32, #tpu.memory_space<vmem>>, %arg8: memref<4096xf32, #tpu.memory_space<vmem>>, %arg9: memref<2048xf32, #tpu.memory_space<vmem>>, %arg10: memref<2048xf32, #tpu.memory_space<vmem>>, %arg11: memref<2048xf32, #tpu.memory_space<vmem>>, %arg12: memref<2048xf32, #tpu.memory_space<vmem>>, %arg13: memref<2048xf32, #tpu.memory_space<vmem>>, %arg14: memref<16xf32, #tpu.memory_space<vmem>>, %arg15: memref<!tpu.dma_semaphore, #tpu.memory_space<semaphore_mem>>, %arg16: memref<!tpu.dma_semaphore, #tpu.memory_space<semaphore_mem>>, %arg17: memref<!tpu.dma_semaphore, #tpu.memory_space<semaphore_mem>>, %arg18: memref<!tpu.dma_semaphore, #tpu.memory_space<semaphore_mem>>) attributes {dimension_semantics = [#tpu.dimension_semantics<core_parallel>, #tpu.dimension_semantics<subcore_parallel>], iteration_bounds = array<i64: 2, 16>, scalar_prefetch = 0 : i64, scratch_operands = 14 : i64, tpu.core_type = #tpu.core_type<sc_vector_subcore>, window_params = [{transform_indices = #map}, {transform_indices = #map}, {transform_indices = #map1}]} {
    %mul3A = arith.constant 2 : i32
    %mul3A_0 = arith.muli %arg1, %mul3A : i32
    %add3A = arith.addi %mul3A_0, %arg0 : i32
    %mul3A_1 = arith.constant 128 : i32
    %mul3A_2 = arith.muli %add3A, %mul3A_1 : i32
    %add3A_3 = arith.constant 0 : i32
    %add3A_4 = arith.addi %mul3A_2, %add3A_3 : i32
    %dma_start3A = arith.constant 0 : i32
    %dma_start3A_5 = tpu.memref_slice %arg2[%add3A_4, %dma_start3A] : memref<4096x4096xf32, #tpu.memory_space<hbm>> -> memref<1x4096xf32, #tpu.memory_space<hbm>>
    %dma_start3A_6 = tpu.memref_squeeze %dma_start3A_5 : memref<1x4096xf32, #tpu.memory_space<hbm>> -> memref<4096xf32, #tpu.memory_space<hbm>>
    %dma_start3A_7 = arith.constant 0 : i32
    %dma_start3A_8 = tpu.memref_slice %arg2[%add3A_4, %dma_start3A_7] : memref<4096x4096xf32, #tpu.memory_space<hbm>> -> memref<1x4096xf32, #tpu.memory_space<hbm>>
    %dma_start3A_9 = tpu.memref_squeeze %dma_start3A_8 : memref<1x4096xf32, #tpu.memory_space<hbm>> -> memref<4096xf32, #tpu.memory_space<hbm>>
    tpu.enqueue_dma source(%dma_start3A_9 : memref<4096xf32, #tpu.memory_space<hbm>>) target(%arg5 : memref<4096xf32, #tpu.memory_space<vmem>>) target_semaphore(%arg15 : memref<!tpu.dma_semaphore, #tpu.memory_space<semaphore_mem>>)
    %add3A_10 = arith.constant 1 : i32
    %add3A_11 = arith.addi %mul3A_2, %add3A_10 : i32
    %dma_start3A_12 = arith.constant 0 : i32
    %dma_start3A_13 = tpu.memref_slice %arg2[%add3A_11, %dma_start3A_12] : memref<4096x4096xf32, #tpu.memory_space<hbm>> -> memref<1x4096xf32, #tpu.memory_space<hbm>>
    %dma_start3A_14 = tpu.memref_squeeze %dma_start3A_13 : memref<1x4096xf32, #tpu.memory_space<hbm>> -> memref<4096xf32, #tpu.memory_space<hbm>>
    %dma_start3A_15 = arith.constant 0 : i32
    %dma_start3A_16 = tpu.memref_slice %arg2[%add3A_11, %dma_start3A_15] : memref<4096x4096xf32, #tpu.memory_space<hbm>> -> memref<1x4096xf32, #tpu.memory_space<hbm>>
    %dma_start3A_17 = tpu.memref_squeeze %dma_start3A_16 : memref<1x4096xf32, #tpu.memory_space<hbm>> -> memref<4096xf32, #tpu.memory_space<hbm>>
    tpu.enqueue_dma source(%dma_start3A_17 : memref<4096xf32, #tpu.memory_space<hbm>>) target(%arg6 : memref<4096xf32, #tpu.memory_space<vmem>>) target_semaphore(%arg16 : memref<!tpu.dma_semaphore, #tpu.memory_space<semaphore_mem>>)
    %add3A_18 = arith.constant 2 : i32
    %add3A_19 = arith.addi %mul3A_2, %add3A_18 : i32
    %dma_start3A_20 = arith.constant 0 : i32
    %dma_start3A_21 = tpu.memref_slice %arg2[%add3A_19, %dma_start3A_20] : memref<4096x4096xf32, #tpu.memory_space<hbm>> -> memref<1x4096xf32, #tpu.memory_space<hbm>>
    %dma_start3A_22 = tpu.memref_squeeze %dma_start3A_21 : memref<1x4096xf32, #tpu.memory_space<hbm>> -> memref<4096xf32, #tpu.memory_space<hbm>>
    %dma_start3A_23 = arith.constant 0 : i32
    %dma_start3A_24 = tpu.memref_slice %arg2[%add3A_19, %dma_start3A_23] : memref<4096x4096xf32, #tpu.memory_space<hbm>> -> memref<1x4096xf32, #tpu.memory_space<hbm>>
    %dma_start3A_25 = tpu.memref_squeeze %dma_start3A_24 : memref<1x4096xf32, #tpu.memory_space<hbm>> -> memref<4096xf32, #tpu.memory_space<hbm>>
    tpu.enqueue_dma source(%dma_start3A_25 : memref<4096xf32, #tpu.memory_space<hbm>>) target(%arg7 : memref<4096xf32, #tpu.memory_space<vmem>>) target_semaphore(%arg17 : memref<!tpu.dma_semaphore, #tpu.memory_space<semaphore_mem>>)
    %add3A_26 = arith.constant 3 : i32
    %add3A_27 = arith.addi %mul3A_2, %add3A_26 : i32
    %dma_start3A_28 = arith.constant 0 : i32
    %dma_start3A_29 = tpu.memref_slice %arg2[%add3A_27, %dma_start3A_28] : memref<4096x4096xf32, #tpu.memory_space<hbm>> -> memref<1x4096xf32, #tpu.memory_space<hbm>>
    %dma_start3A_30 = tpu.memref_squeeze %dma_start3A_29 : memref<1x4096xf32, #tpu.memory_space<hbm>> -> memref<4096xf32, #tpu.memory_space<hbm>>
    %dma_start3A_31 = arith.constant 0 : i32
    %dma_start3A_32 = tpu.memref_slice %arg2[%add3A_27, %dma_start3A_31] : memref<4096x4096xf32, #tpu.memory_space<hbm>> -> memref<1x4096xf32, #tpu.memory_space<hbm>>
    %dma_start3A_33 = tpu.memref_squeeze %dma_start3A_32 : memref<1x4096xf32, #tpu.memory_space<hbm>> -> memref<4096xf32, #tpu.memory_space<hbm>>
    tpu.enqueue_dma source(%dma_start3A_33 : memref<4096xf32, #tpu.memory_space<hbm>>) target(%arg8 : memref<4096xf32, #tpu.memory_space<vmem>>) target_semaphore(%arg18 : memref<!tpu.dma_semaphore, #tpu.memory_space<semaphore_mem>>)
    %run_scoped3A = arith.constant 0 : i32
    "tpu.region"() ({
      %run_scoped3A_72 = tpu.sem_alloc : memref<!tpu.dma_semaphore, #tpu.memory_space<semaphore_mem>>
      %dma_start3A_73 = arith.constant 0 : i32
      %dma_start3A_74 = tpu.memref_slice %arg3[%run_scoped3A, %dma_start3A_73] : memref<1x16xf32, #tpu.memory_space<hbm>> -> memref<1x16xf32, #tpu.memory_space<hbm>>
      %dma_start3A_75 = tpu.memref_squeeze %dma_start3A_74 : memref<1x16xf32, #tpu.memory_space<hbm>> -> memref<16xf32, #tpu.memory_space<hbm>>
      %dma_start3A_76 = arith.constant 0 : i32
      %dma_start3A_77 = tpu.memref_slice %arg3[%run_scoped3A, %dma_start3A_76] : memref<1x16xf32, #tpu.memory_space<hbm>> -> memref<1x16xf32, #tpu.memory_space<hbm>>
      %dma_start3A_78 = tpu.memref_squeeze %dma_start3A_77 : memref<1x16xf32, #tpu.memory_space<hbm>> -> memref<16xf32, #tpu.memory_space<hbm>>
      tpu.enqueue_dma source(%dma_start3A_78 : memref<16xf32, #tpu.memory_space<hbm>>) target(%arg14 : memref<16xf32, #tpu.memory_space<vmem>>) target_semaphore(%run_scoped3A_72 : memref<!tpu.dma_semaphore, #tpu.memory_space<semaphore_mem>>)
      %dma_wait3A = arith.constant 0 : i32
      %dma_wait3A_79 = tpu.memref_slice %arg3[%run_scoped3A, %dma_wait3A] : memref<1x16xf32, #tpu.memory_space<hbm>> -> memref<1x16xf32, #tpu.memory_space<hbm>>
      %dma_wait3A_80 = tpu.memref_squeeze %dma_wait3A_79 : memref<1x16xf32, #tpu.memory_space<hbm>> -> memref<16xf32, #tpu.memory_space<hbm>>
      %dma_wait3A_81 = arith.constant 0 : i32
      %dma_wait3A_82 = tpu.memref_slice %arg3[%run_scoped3A, %dma_wait3A_81] : memref<1x16xf32, #tpu.memory_space<hbm>> -> memref<1x16xf32, #tpu.memory_space<hbm>>
      %dma_wait3A_83 = tpu.memref_squeeze %dma_wait3A_82 : memref<1x16xf32, #tpu.memory_space<hbm>> -> memref<16xf32, #tpu.memory_space<hbm>>
      tpu.wait_dma2 semaphore(%run_scoped3A_72 : memref<!tpu.dma_semaphore, #tpu.memory_space<semaphore_mem>>) src(%dma_wait3A_83 : memref<16xf32, #tpu.memory_space<hbm>>) dst(%arg14 : memref<16xf32, #tpu.memory_space<vmem>>)
      tpu.yield
    }) : () -> ()
    %get3A = arith.constant 0 : index
    %get3A_34 = tpu.vector_load %arg14[%get3A] {strides = array<i32>} : memref<16xf32, #tpu.memory_space<vmem>>, vector<16xf32>,
    %slice3A = vector.extract_strided_slice %get3A_34 {offsets = [0], sizes = [1], strides = [1]} : vector<16xf32> to vector<1xf32>
    %squeeze3A = vector.extract %slice3A[0] : f32 from vector<1xf32>
    %slice3A_35 = vector.extract_strided_slice %get3A_34 {offsets = [1], sizes = [1], strides = [1]} : vector<16xf32> to vector<1xf32>
    %squeeze3A_36 = vector.extract %slice3A_35[0] : f32 from vector<1xf32>
    %sub3A = arith.subf %squeeze3A_36, %squeeze3A : f32
    %eq3A = arith.constant 0.000000e+00 : f32
    %eq3A_37 = arith.cmpf oeq, %sub3A, %eq3A : f32
    %jit3A = arith.constant 1.000000e+00 : f32
    %select_n3A = arith.select %eq3A_37, %jit3A, %sub3A : f32
    %broadcast_in_dim3A = arith.constant 1.000000e+00 : f32
    %broadcast_in_dim3A_38 = vector.broadcast %broadcast_in_dim3A : f32 to vector<16xf32>
    %mul3A_39 = vector.broadcast %select_n3A : f32 to vector<16xf32>
    %mul3A_40 = arith.mulf %broadcast_in_dim3A_38, %mul3A_39 : vector<16xf32>
    %broadcast_in_dim3A_41 = arith.constant 2047.99609 : f32
    %broadcast_in_dim3A_42 = vector.broadcast %broadcast_in_dim3A_41 : f32 to vector<16xf32>
    %div3A = arith.divf %broadcast_in_dim3A_42, %mul3A_40 : vector<16xf32>
    %neg3A = arith.constant 0.000000e+00 : f32
    %neg3A_43 = arith.subf %neg3A, %squeeze3A : f32
    %mul3A_44 = vector.broadcast %neg3A_43 : f32 to vector<16xf32>
    %mul3A_45 = arith.mulf %mul3A_44, %div3A : vector<16xf32>
    %broadcast_in_dim3A_46 = arith.constant 0.000000e+00 : f32
    %broadcast_in_dim3A_47 = vector.broadcast %broadcast_in_dim3A_46 : f32 to vector<16xf32>
    %scan3A = arith.constant 0 : i32
    %scan3A_48 = arith.constant 0 : i32
    %scan3A_49 = arith.constant 128 : i32
    %scan3A_50 = arith.addi %scan3A_48, %scan3A_49 : i32
    %scan3A_51 = arith.constant 1 : i32
    %scan3A_52 = scf.for %scan3A_72 = %scan3A_48 to %scan3A_50 step %scan3A_51 iter_args(%scan3A_73 = %scan3A) -> (i32)  : i32 {
      %mul3A_74 = arith.constant 16 : i32
      %mul3A_75 = arith.muli %scan3A_72, %mul3A_74 : i32
      %swap3A = arith.index_cast %mul3A_75 : i32 to index
      %swap3A_76 = tpu.vector_load %arg10[%swap3A] {strides = array<i32>} : memref<2048xf32, #tpu.memory_space<vmem>>, vector<16xf32>,
      tpu.vector_store %arg10[%swap3A], %broadcast_in_dim3A_47 {strides = array<i32>} : memref<2048xf32, #tpu.memory_space<vmem>>, vector<16xf32>,
      %mul3A_77 = arith.constant 16 : i32
      %mul3A_78 = arith.muli %scan3A_72, %mul3A_77 : i32
      %swap3A_79 = arith.index_cast %mul3A_78 : i32 to index
      %swap3A_80 = tpu.vector_load %arg11[%swap3A_79] {strides = array<i32>} : memref<2048xf32, #tpu.memory_space<vmem>>, vector<16xf32>,
      tpu.vector_store %arg11[%swap3A_79], %broadcast_in_dim3A_47 {strides = array<i32>} : memref<2048xf32, #tpu.memory_space<vmem>>, vector<16xf32>,
      %mul3A_81 = arith.constant 16 : i32
      %mul3A_82 = arith.muli %scan3A_72, %mul3A_81 : i32
      %swap3A_83 = arith.index_cast %mul3A_82 : i32 to index
      %swap3A_84 = tpu.vector_load %arg12[%swap3A_83] {strides = array<i32>} : memref<2048xf32, #tpu.memory_space<vmem>>, vector<16xf32>,
      tpu.vector_store %arg12[%swap3A_83], %broadcast_in_dim3A_47 {strides = array<i32>} : memref<2048xf32, #tpu.memory_space<vmem>>, vector<16xf32>,
      %mul3A_85 = arith.constant 16 : i32
      %mul3A_86 = arith.muli %scan3A_72, %mul3A_85 : i32
      %swap3A_87 = arith.index_cast %mul3A_86 : i32 to index
      %swap3A_88 = tpu.vector_load %arg13[%swap3A_87] {strides = array<i32>} : memref<2048xf32, #tpu.memory_space<vmem>>, vector<16xf32>,
      tpu.vector_store %arg13[%swap3A_87], %broadcast_in_dim3A_47 {strides = array<i32>} : memref<2048xf32, #tpu.memory_space<vmem>>, vector<16xf32>,
      %scan3A_89 = arith.constant 0 : i32
      scf.yield %scan3A_89 : i32
    }
    %scan3A_53 = arith.constant 128 : i32
    %broadcast_in_dim3A_54 = arith.constant 1.000000e+00 : f32
    %broadcast_in_dim3A_55 = vector.broadcast %broadcast_in_dim3A_54 : f32 to vector<16xf32>
    %scan3A_56 = arith.constant 0 : i32
    %scan3A_57 = arith.constant 0 : i32
    %scan3A_58 = arith.constant 32 : i32
    %scan3A_59 = arith.addi %scan3A_57, %scan3A_58 : i32
    %scan3A_60 = arith.constant 1 : i32
    %scan3A_61 = scf.for %scan3A_72 = %scan3A_57 to %scan3A_59 step %scan3A_60 iter_args(%scan3A_73 = %scan3A_56) -> (i32)  : i32 {
      %mul3A_74 = arith.constant 4 : i32
      %mul3A_75 = arith.muli %scan3A_72, %mul3A_74 : i32
      %add3A_76 = arith.constant 0 : i32
      %add3A_77 = arith.addi %mul3A_75, %add3A_76 : i32
      %add3A_78 = arith.addi %mul3A_2, %add3A_77 : i32
      %dma_wait3A = arith.constant 0 : i32
      %dma_wait3A_79 = tpu.memref_slice %arg2[%add3A_78, %dma_wait3A] : memref<4096x4096xf32, #tpu.memory_space<hbm>> -> memref<1x4096xf32, #tpu.memory_space<hbm>>
      %dma_wait3A_80 = tpu.memref_squeeze %dma_wait3A_79 : memref<1x4096xf32, #tpu.memory_space<hbm>> -> memref<4096xf32, #tpu.memory_space<hbm>>
      %dma_wait3A_81 = arith.constant 0 : i32
      %dma_wait3A_82 = tpu.memref_slice %arg2[%add3A_78, %dma_wait3A_81] : memref<4096x4096xf32, #tpu.memory_space<hbm>> -> memref<1x4096xf32, #tpu.memory_space<hbm>>
      %dma_wait3A_83 = tpu.memref_squeeze %dma_wait3A_82 : memref<1x4096xf32, #tpu.memory_space<hbm>> -> memref<4096xf32, #tpu.memory_space<hbm>>
      tpu.wait_dma2 semaphore(%arg15 : memref<!tpu.dma_semaphore, #tpu.memory_space<semaphore_mem>>) src(%dma_wait3A_83 : memref<4096xf32, #tpu.memory_space<hbm>>) dst(%arg5 : memref<4096xf32, #tpu.memory_space<vmem>>)
      %parallel_loop3A = arith.constant 0 : i32
      %parallel_loop3A_84 = arith.constant 64 : i32
      %parallel_loop3A_85 = arith.constant 1 : i32
      scf.for %parallel_loop3A_154 = %parallel_loop3A to %parallel_loop3A_84 step %parallel_loop3A_85  : i32 {
        %parallel_loop3A_155 = arith.constant 4 : i32
        %parallel_loop3A_156 = arith.muli %parallel_loop3A_154, %parallel_loop3A_155 : i32
        %parallel_loop3A_157 = arith.constant 0 : i32
        %parallel_loop3A_158 = arith.addi %parallel_loop3A_156, %parallel_loop3A_157 : i32
        %parallel_loop3A_159 = arith.constant 16 : i32
        %parallel_loop3A_160 = arith.muli %parallel_loop3A_158, %parallel_loop3A_159 : i32
        %parallel_loop3A_161 = arith.index_cast %parallel_loop3A_160 : i32 to index
        %parallel_loop3A_162 = tpu.vector_load %arg5[%parallel_loop3A_161] {strides = array<i32>} : memref<4096xf32, #tpu.memory_space<vmem>>, vector<16xf32>,
        %parallel_loop3A_163 = arith.mulf %parallel_loop3A_162, %div3A : vector<16xf32>
        %parallel_loop3A_164 = arith.addf %parallel_loop3A_163, %mul3A_45 : vector<16xf32>
        %parallel_loop3A_165 = arith.fptosi %parallel_loop3A_164 : vector<16xf32> to vector<16xi32>
        tpu.vector_store_idx %arg10[%parallel_loop3A_165], %broadcast_in_dim3A_55 {add = true} : memref<2048xf32, #tpu.memory_space<vmem>>[vector<16xi32>], vector<16xf32>,
        %parallel_loop3A_166 = arith.constant 4 : i32
        %parallel_loop3A_167 = arith.muli %parallel_loop3A_154, %parallel_loop3A_166 : i32
        %parallel_loop3A_168 = arith.constant 1 : i32
        %parallel_loop3A_169 = arith.addi %parallel_loop3A_167, %parallel_loop3A_168 : i32
        %parallel_loop3A_170 = arith.constant 16 : i32
        %parallel_loop3A_171 = arith.muli %parallel_loop3A_169, %parallel_loop3A_170 : i32
        %parallel_loop3A_172 = arith.index_cast %parallel_loop3A_171 : i32 to index
        %parallel_loop3A_173 = tpu.vector_load %arg5[%parallel_loop3A_172] {strides = array<i32>} : memref<4096xf32, #tpu.memory_space<vmem>>, vector<16xf32>,
        %parallel_loop3A_174 = arith.mulf %parallel_loop3A_173, %div3A : vector<16xf32>
        %parallel_loop3A_175 = arith.addf %parallel_loop3A_174, %mul3A_45 : vector<16xf32>
        %parallel_loop3A_176 = arith.fptosi %parallel_loop3A_175 : vector<16xf32> to vector<16xi32>
        tpu.vector_store_idx %arg11[%parallel_loop3A_176], %broadcast_in_dim3A_55 {add = true} : memref<2048xf32, #tpu.memory_space<vmem>>[vector<16xi32>], vector<16xf32>,
        %parallel_loop3A_177 = arith.constant 4 : i32
        %parallel_loop3A_178 = arith.muli %parallel_loop3A_154, %parallel_loop3A_177 : i32
        %parallel_loop3A_179 = arith.constant 2 : i32
        %parallel_loop3A_180 = arith.addi %parallel_loop3A_178, %parallel_loop3A_179 : i32
        %parallel_loop3A_181 = arith.constant 16 : i32
        %parallel_loop3A_182 = arith.muli %parallel_loop3A_180, %parallel_loop3A_181 : i32
        %parallel_loop3A_183 = arith.index_cast %parallel_loop3A_182 : i32 to index
        %parallel_loop3A_184 = tpu.vector_load %arg5[%parallel_loop3A_183] {strides = array<i32>} : memref<4096xf32, #tpu.memory_space<vmem>>, vector<16xf32>,
        %parallel_loop3A_185 = arith.mulf %parallel_loop3A_184, %div3A : vector<16xf32>
        %parallel_loop3A_186 = arith.addf %parallel_loop3A_185, %mul3A_45 : vector<16xf32>
        %parallel_loop3A_187 = arith.fptosi %parallel_loop3A_186 : vector<16xf32> to vector<16xi32>
        tpu.vector_store_idx %arg12[%parallel_loop3A_187], %broadcast_in_dim3A_55 {add = true} : memref<2048xf32, #tpu.memory_space<vmem>>[vector<16xi32>], vector<16xf32>,
        %parallel_loop3A_188 = arith.constant 4 : i32
        %parallel_loop3A_189 = arith.muli %parallel_loop3A_154, %parallel_loop3A_188 : i32
        %parallel_loop3A_190 = arith.constant 3 : i32
        %parallel_loop3A_191 = arith.addi %parallel_loop3A_189, %parallel_loop3A_190 : i32
        %parallel_loop3A_192 = arith.constant 16 : i32
        %parallel_loop3A_193 = arith.muli %parallel_loop3A_191, %parallel_loop3A_192 : i32
        %parallel_loop3A_194 = arith.index_cast %parallel_loop3A_193 : i32 to index
        %parallel_loop3A_195 = tpu.vector_load %arg5[%parallel_loop3A_194] {strides = array<i32>} : memref<4096xf32, #tpu.memory_space<vmem>>, vector<16xf32>,
        %parallel_loop3A_196 = arith.mulf %parallel_loop3A_195, %div3A : vector<16xf32>
        %parallel_loop3A_197 = arith.addf %parallel_loop3A_196, %mul3A_45 : vector<16xf32>
        %parallel_loop3A_198 = arith.fptosi %parallel_loop3A_197 : vector<16xf32> to vector<16xi32>
        tpu.vector_store_idx %arg13[%parallel_loop3A_198], %broadcast_in_dim3A_55 {add = true} : memref<2048xf32, #tpu.memory_space<vmem>>[vector<16xi32>], vector<16xf32>,
      } {sc.loop_unroll_factor = 1 : i64, sc.parallel_access}
      %add3A_86 = arith.constant 4 : i32
      %add3A_87 = arith.addi %add3A_77, %add3A_86 : i32
      %lt3A = arith.constant 128 : i32
      %lt3A_88 = arith.cmpi slt, %add3A_87, %lt3A : i32
      %convert_element_type3A = arith.extui %lt3A_88 : i1 to i32
      %cond3A = arith.constant 0 : i32
      %cond3A_89 = arith.cmpi ne, %convert_element_type3A, %cond3A : i32
      scf.if %cond3A_89 {
        %add3A_154 = arith.addi %mul3A_2, %add3A_87 : i32
        %dma_start3A_155 = arith.constant 0 : i32
        %dma_start3A_156 = tpu.memref_slice %arg2[%add3A_154, %dma_start3A_155] : memref<4096x4096xf32, #tpu.memory_space<hbm>> -> memref<1x4096xf32, #tpu.memory_space<hbm>>
        %dma_start3A_157 = tpu.memref_squeeze %dma_start3A_156 : memref<1x4096xf32, #tpu.memory_space<hbm>> -> memref<4096xf32, #tpu.memory_space<hbm>>
        %dma_start3A_158 = arith.constant 0 : i32
        %dma_start3A_159 = tpu.memref_slice %arg2[%add3A_154, %dma_start3A_158] : memref<4096x4096xf32, #tpu.memory_space<hbm>> -> memref<1x4096xf32, #tpu.memory_space<hbm>>
        %dma_start3A_160 = tpu.memref_squeeze %dma_start3A_159 : memref<1x4096xf32, #tpu.memory_space<hbm>> -> memref<4096xf32, #tpu.memory_space<hbm>>
        tpu.enqueue_dma source(%dma_start3A_160 : memref<4096xf32, #tpu.memory_space<hbm>>) target(%arg5 : memref<4096xf32, #tpu.memory_space<vmem>>) target_semaphore(%arg15 : memref<!tpu.dma_semaphore, #tpu.memory_space<semaphore_mem>>)
      } else {
      }
      %mul3A_90 = arith.constant 4 : i32
      %mul3A_91 = arith.muli %scan3A_72, %mul3A_90 : i32
      %add3A_92 = arith.constant 1 : i32
      %add3A_93 = arith.addi %mul3A_91, %add3A_92 : i32
      %add3A_94 = arith.addi %mul3A_2, %add3A_93 : i32
      %dma_wait3A_95 = arith.constant 0 : i32
      %dma_wait3A_96 = tpu.memref_slice %arg2[%add3A_94, %dma_wait3A_95] : memref<4096x4096xf32, #tpu.memory_space<hbm>> -> memref<1x4096xf32, #tpu.memory_space<hbm>>
      %dma_wait3A_97 = tpu.memref_squeeze %dma_wait3A_96 : memref<1x4096xf32, #tpu.memory_space<hbm>> -> memref<4096xf32, #tpu.memory_space<hbm>>
      %dma_wait3A_98 = arith.constant 0 : i32
      %dma_wait3A_99 = tpu.memref_slice %arg2[%add3A_94, %dma_wait3A_98] : memref<4096x4096xf32, #tpu.memory_space<hbm>> -> memref<1x4096xf32, #tpu.memory_space<hbm>>
      %dma_wait3A_100 = tpu.memref_squeeze %dma_wait3A_99 : memref<1x4096xf32, #tpu.memory_space<hbm>> -> memref<4096xf32, #tpu.memory_space<hbm>>
      tpu.wait_dma2 semaphore(%arg16 : memref<!tpu.dma_semaphore, #tpu.memory_space<semaphore_mem>>) src(%dma_wait3A_100 : memref<4096xf32, #tpu.memory_space<hbm>>) dst(%arg6 : memref<4096xf32, #tpu.memory_space<vmem>>)
      %parallel_loop3A_101 = arith.constant 0 : i32
      %parallel_loop3A_102 = arith.constant 64 : i32
      %parallel_loop3A_103 = arith.constant 1 : i32
      scf.for %parallel_loop3A_154 = %parallel_loop3A_101 to %parallel_loop3A_102 step %parallel_loop3A_103  : i32 {
        %parallel_loop3A_155 = arith.constant 4 : i32
        %parallel_loop3A_156 = arith.muli %parallel_loop3A_154, %parallel_loop3A_155 : i32
        %parallel_loop3A_157 = arith.constant 0 : i32
        %parallel_loop3A_158 = arith.addi %parallel_loop3A_156, %parallel_loop3A_157 : i32
        %parallel_loop3A_159 = arith.constant 16 : i32
        %parallel_loop3A_160 = arith.muli %parallel_loop3A_158, %parallel_loop3A_159 : i32
        %parallel_loop3A_161 = arith.index_cast %parallel_loop3A_160 : i32 to index
        %parallel_loop3A_162 = tpu.vector_load %arg6[%parallel_loop3A_161] {strides = array<i32>} : memref<4096xf32, #tpu.memory_space<vmem>>, vector<16xf32>,
        %parallel_loop3A_163 = arith.mulf %parallel_loop3A_162, %div3A : vector<16xf32>
        %parallel_loop3A_164 = arith.addf %parallel_loop3A_163, %mul3A_45 : vector<16xf32>
        %parallel_loop3A_165 = arith.fptosi %parallel_loop3A_164 : vector<16xf32> to vector<16xi32>
        tpu.vector_store_idx %arg10[%parallel_loop3A_165], %broadcast_in_dim3A_55 {add = true} : memref<2048xf32, #tpu.memory_space<vmem>>[vector<16xi32>], vector<16xf32>,
        %parallel_loop3A_166 = arith.constant 4 : i32
        %parallel_loop3A_167 = arith.muli %parallel_loop3A_154, %parallel_loop3A_166 : i32
        %parallel_loop3A_168 = arith.constant 1 : i32
        %parallel_loop3A_169 = arith.addi %parallel_loop3A_167, %parallel_loop3A_168 : i32
        %parallel_loop3A_170 = arith.constant 16 : i32
        %parallel_loop3A_171 = arith.muli %parallel_loop3A_169, %parallel_loop3A_170 : i32
        %parallel_loop3A_172 = arith.index_cast %parallel_loop3A_171 : i32 to index
        %parallel_loop3A_173 = tpu.vector_load %arg6[%parallel_loop3A_172] {strides = array<i32>} : memref<4096xf32, #tpu.memory_space<vmem>>, vector<16xf32>,
        %parallel_loop3A_174 = arith.mulf %parallel_loop3A_173, %div3A : vector<16xf32>
        %parallel_loop3A_175 = arith.addf %parallel_loop3A_174, %mul3A_45 : vector<16xf32>
        %parallel_loop3A_176 = arith.fptosi %parallel_loop3A_175 : vector<16xf32> to vector<16xi32>
        tpu.vector_store_idx %arg11[%parallel_loop3A_176], %broadcast_in_dim3A_55 {add = true} : memref<2048xf32, #tpu.memory_space<vmem>>[vector<16xi32>], vector<16xf32>,
        %parallel_loop3A_177 = arith.constant 4 : i32
        %parallel_loop3A_178 = arith.muli %parallel_loop3A_154, %parallel_loop3A_177 : i32
        %parallel_loop3A_179 = arith.constant 2 : i32
        %parallel_loop3A_180 = arith.addi %parallel_loop3A_178, %parallel_loop3A_179 : i32
        %parallel_loop3A_181 = arith.constant 16 : i32
        %parallel_loop3A_182 = arith.muli %parallel_loop3A_180, %parallel_loop3A_181 : i32
        %parallel_loop3A_183 = arith.index_cast %parallel_loop3A_182 : i32 to index
        %parallel_loop3A_184 = tpu.vector_load %arg6[%parallel_loop3A_183] {strides = array<i32>} : memref<4096xf32, #tpu.memory_space<vmem>>, vector<16xf32>,
        %parallel_loop3A_185 = arith.mulf %parallel_loop3A_184, %div3A : vector<16xf32>
        %parallel_loop3A_186 = arith.addf %parallel_loop3A_185, %mul3A_45 : vector<16xf32>
        %parallel_loop3A_187 = arith.fptosi %parallel_loop3A_186 : vector<16xf32> to vector<16xi32>
        tpu.vector_store_idx %arg12[%parallel_loop3A_187], %broadcast_in_dim3A_55 {add = true} : memref<2048xf32, #tpu.memory_space<vmem>>[vector<16xi32>], vector<16xf32>,
        %parallel_loop3A_188 = arith.constant 4 : i32
        %parallel_loop3A_189 = arith.muli %parallel_loop3A_154, %parallel_loop3A_188 : i32
        %parallel_loop3A_190 = arith.constant 3 : i32
        %parallel_loop3A_191 = arith.addi %parallel_loop3A_189, %parallel_loop3A_190 : i32
        %parallel_loop3A_192 = arith.constant 16 : i32
        %parallel_loop3A_193 = arith.muli %parallel_loop3A_191, %parallel_loop3A_192 : i32
        %parallel_loop3A_194 = arith.index_cast %parallel_loop3A_193 : i32 to index
        %parallel_loop3A_195 = tpu.vector_load %arg6[%parallel_loop3A_194] {strides = array<i32>} : memref<4096xf32, #tpu.memory_space<vmem>>, vector<16xf32>,
        %parallel_loop3A_196 = arith.mulf %parallel_loop3A_195, %div3A : vector<16xf32>
        %parallel_loop3A_197 = arith.addf %parallel_loop3A_196, %mul3A_45 : vector<16xf32>
        %parallel_loop3A_198 = arith.fptosi %parallel_loop3A_197 : vector<16xf32> to vector<16xi32>
        tpu.vector_store_idx %arg13[%parallel_loop3A_198], %broadcast_in_dim3A_55 {add = true} : memref<2048xf32, #tpu.memory_space<vmem>>[vector<16xi32>], vector<16xf32>,
      } {sc.loop_unroll_factor = 1 : i64, sc.parallel_access}
      %add3A_104 = arith.constant 4 : i32
      %add3A_105 = arith.addi %add3A_93, %add3A_104 : i32
      %lt3A_106 = arith.constant 128 : i32
      %lt3A_107 = arith.cmpi slt, %add3A_105, %lt3A_106 : i32
      %convert_element_type3A_108 = arith.extui %lt3A_107 : i1 to i32
      %cond3A_109 = arith.constant 0 : i32
      %cond3A_110 = arith.cmpi ne, %convert_element_type3A_108, %cond3A_109 : i32
      scf.if %cond3A_110 {
        %add3A_154 = arith.addi %mul3A_2, %add3A_105 : i32
        %dma_start3A_155 = arith.constant 0 : i32
        %dma_start3A_156 = tpu.memref_slice %arg2[%add3A_154, %dma_start3A_155] : memref<4096x4096xf32, #tpu.memory_space<hbm>> -> memref<1x4096xf32, #tpu.memory_space<hbm>>
        %dma_start3A_157 = tpu.memref_squeeze %dma_start3A_156 : memref<1x4096xf32, #tpu.memory_space<hbm>> -> memref<4096xf32, #tpu.memory_space<hbm>>
        %dma_start3A_158 = arith.constant 0 : i32
        %dma_start3A_159 = tpu.memref_slice %arg2[%add3A_154, %dma_start3A_158] : memref<4096x4096xf32, #tpu.memory_space<hbm>> -> memref<1x4096xf32, #tpu.memory_space<hbm>>
        %dma_start3A_160 = tpu.memref_squeeze %dma_start3A_159 : memref<1x4096xf32, #tpu.memory_space<hbm>> -> memref<4096xf32, #tpu.memory_space<hbm>>
        tpu.enqueue_dma source(%dma_start3A_160 : memref<4096xf32, #tpu.memory_space<hbm>>) target(%arg6 : memref<4096xf32, #tpu.memory_space<vmem>>) target_semaphore(%arg16 : memref<!tpu.dma_semaphore, #tpu.memory_space<semaphore_mem>>)
      } else {
      }
      %mul3A_111 = arith.constant 4 : i32
      %mul3A_112 = arith.muli %scan3A_72, %mul3A_111 : i32
      %add3A_113 = arith.constant 2 : i32
      %add3A_114 = arith.addi %mul3A_112, %add3A_113 : i32
      %add3A_115 = arith.addi %mul3A_2, %add3A_114 : i32
      %dma_wait3A_116 = arith.constant 0 : i32
      %dma_wait3A_117 = tpu.memref_slice %arg2[%add3A_115, %dma_wait3A_116] : memref<4096x4096xf32, #tpu.memory_space<hbm>> -> memref<1x4096xf32, #tpu.memory_space<hbm>>
      %dma_wait3A_118 = tpu.memref_squeeze %dma_wait3A_117 : memref<1x4096xf32, #tpu.memory_space<hbm>> -> memref<4096xf32, #tpu.memory_space<hbm>>
      %dma_wait3A_119 = arith.constant 0 : i32
      %dma_wait3A_120 = tpu.memref_slice %arg2[%add3A_115, %dma_wait3A_119] : memref<4096x4096xf32, #tpu.memory_space<hbm>> -> memref<1x4096xf32, #tpu.memory_space<hbm>>
      %dma_wait3A_121 = tpu.memref_squeeze %dma_wait3A_120 : memref<1x4096xf32, #tpu.memory_space<hbm>> -> memref<4096xf32, #tpu.memory_space<hbm>>
      tpu.wait_dma2 semaphore(%arg17 : memref<!tpu.dma_semaphore, #tpu.memory_space<semaphore_mem>>) src(%dma_wait3A_121 : memref<4096xf32, #tpu.memory_space<hbm>>) dst(%arg7 : memref<4096xf32, #tpu.memory_space<vmem>>)
      %parallel_loop3A_122 = arith.constant 0 : i32
      %parallel_loop3A_123 = arith.constant 64 : i32
      %parallel_loop3A_124 = arith.constant 1 : i32
      scf.for %parallel_loop3A_154 = %parallel_loop3A_122 to %parallel_loop3A_123 step %parallel_loop3A_124  : i32 {
        %parallel_loop3A_155 = arith.constant 4 : i32
        %parallel_loop3A_156 = arith.muli %parallel_loop3A_154, %parallel_loop3A_155 : i32
        %parallel_loop3A_157 = arith.constant 0 : i32
        %parallel_loop3A_158 = arith.addi %parallel_loop3A_156, %parallel_loop3A_157 : i32
        %parallel_loop3A_159 = arith.constant 16 : i32
        %parallel_loop3A_160 = arith.muli %parallel_loop3A_158, %parallel_loop3A_159 : i32
        %parallel_loop3A_161 = arith.index_cast %parallel_loop3A_160 : i32 to index
        %parallel_loop3A_162 = tpu.vector_load %arg7[%parallel_loop3A_161] {strides = array<i32>} : memref<4096xf32, #tpu.memory_space<vmem>>, vector<16xf32>,
        %parallel_loop3A_163 = arith.mulf %parallel_loop3A_162, %div3A : vector<16xf32>
        %parallel_loop3A_164 = arith.addf %parallel_loop3A_163, %mul3A_45 : vector<16xf32>
        %parallel_loop3A_165 = arith.fptosi %parallel_loop3A_164 : vector<16xf32> to vector<16xi32>
        tpu.vector_store_idx %arg10[%parallel_loop3A_165], %broadcast_in_dim3A_55 {add = true} : memref<2048xf32, #tpu.memory_space<vmem>>[vector<16xi32>], vector<16xf32>,
        %parallel_loop3A_166 = arith.constant 4 : i32
        %parallel_loop3A_167 = arith.muli %parallel_loop3A_154, %parallel_loop3A_166 : i32
        %parallel_loop3A_168 = arith.constant 1 : i32
        %parallel_loop3A_169 = arith.addi %parallel_loop3A_167, %parallel_loop3A_168 : i32
        %parallel_loop3A_170 = arith.constant 16 : i32
        %parallel_loop3A_171 = arith.muli %parallel_loop3A_169, %parallel_loop3A_170 : i32
        %parallel_loop3A_172 = arith.index_cast %parallel_loop3A_171 : i32 to index
        %parallel_loop3A_173 = tpu.vector_load %arg7[%parallel_loop3A_172] {strides = array<i32>} : memref<4096xf32, #tpu.memory_space<vmem>>, vector<16xf32>,
        %parallel_loop3A_174 = arith.mulf %parallel_loop3A_173, %div3A : vector<16xf32>
        %parallel_loop3A_175 = arith.addf %parallel_loop3A_174, %mul3A_45 : vector<16xf32>
        %parallel_loop3A_176 = arith.fptosi %parallel_loop3A_175 : vector<16xf32> to vector<16xi32>
        tpu.vector_store_idx %arg11[%parallel_loop3A_176], %broadcast_in_dim3A_55 {add = true} : memref<2048xf32, #tpu.memory_space<vmem>>[vector<16xi32>], vector<16xf32>,
        %parallel_loop3A_177 = arith.constant 4 : i32
        %parallel_loop3A_178 = arith.muli %parallel_loop3A_154, %parallel_loop3A_177 : i32
        %parallel_loop3A_179 = arith.constant 2 : i32
        %parallel_loop3A_180 = arith.addi %parallel_loop3A_178, %parallel_loop3A_179 : i32
        %parallel_loop3A_181 = arith.constant 16 : i32
        %parallel_loop3A_182 = arith.muli %parallel_loop3A_180, %parallel_loop3A_181 : i32
        %parallel_loop3A_183 = arith.index_cast %parallel_loop3A_182 : i32 to index
        %parallel_loop3A_184 = tpu.vector_load %arg7[%parallel_loop3A_183] {strides = array<i32>} : memref<4096xf32, #tpu.memory_space<vmem>>, vector<16xf32>,
        %parallel_loop3A_185 = arith.mulf %parallel_loop3A_184, %div3A : vector<16xf32>
        %parallel_loop3A_186 = arith.addf %parallel_loop3A_185, %mul3A_45 : vector<16xf32>
        %parallel_loop3A_187 = arith.fptosi %parallel_loop3A_186 : vector<16xf32> to vector<16xi32>
        tpu.vector_store_idx %arg12[%parallel_loop3A_187], %broadcast_in_dim3A_55 {add = true} : memref<2048xf32, #tpu.memory_space<vmem>>[vector<16xi32>], vector<16xf32>,
        %parallel_loop3A_188 = arith.constant 4 : i32
        %parallel_loop3A_189 = arith.muli %parallel_loop3A_154, %parallel_loop3A_188 : i32
        %parallel_loop3A_190 = arith.constant 3 : i32
        %parallel_loop3A_191 = arith.addi %parallel_loop3A_189, %parallel_loop3A_190 : i32
        %parallel_loop3A_192 = arith.constant 16 : i32
        %parallel_loop3A_193 = arith.muli %parallel_loop3A_191, %parallel_loop3A_192 : i32
        %parallel_loop3A_194 = arith.index_cast %parallel_loop3A_193 : i32 to index
        %parallel_loop3A_195 = tpu.vector_load %arg7[%parallel_loop3A_194] {strides = array<i32>} : memref<4096xf32, #tpu.memory_space<vmem>>, vector<16xf32>,
        %parallel_loop3A_196 = arith.mulf %parallel_loop3A_195, %div3A : vector<16xf32>
        %parallel_loop3A_197 = arith.addf %parallel_loop3A_196, %mul3A_45 : vector<16xf32>
        %parallel_loop3A_198 = arith.fptosi %parallel_loop3A_197 : vector<16xf32> to vector<16xi32>
        tpu.vector_store_idx %arg13[%parallel_loop3A_198], %broadcast_in_dim3A_55 {add = true} : memref<2048xf32, #tpu.memory_space<vmem>>[vector<16xi32>], vector<16xf32>,
      } {sc.loop_unroll_factor = 1 : i64, sc.parallel_access}
      %add3A_125 = arith.constant 4 : i32
      %add3A_126 = arith.addi %add3A_114, %add3A_125 : i32
      %lt3A_127 = arith.constant 128 : i32
      %lt3A_128 = arith.cmpi slt, %add3A_126, %lt3A_127 : i32
      %convert_element_type3A_129 = arith.extui %lt3A_128 : i1 to i32
      %cond3A_130 = arith.constant 0 : i32
      %cond3A_131 = arith.cmpi ne, %convert_element_type3A_129, %cond3A_130 : i32
      scf.if %cond3A_131 {
        %add3A_154 = arith.addi %mul3A_2, %add3A_126 : i32
        %dma_start3A_155 = arith.constant 0 : i32
        %dma_start3A_156 = tpu.memref_slice %arg2[%add3A_154, %dma_start3A_155] : memref<4096x4096xf32, #tpu.memory_space<hbm>> -> memref<1x4096xf32, #tpu.memory_space<hbm>>
        %dma_start3A_157 = tpu.memref_squeeze %dma_start3A_156 : memref<1x4096xf32, #tpu.memory_space<hbm>> -> memref<4096xf32, #tpu.memory_space<hbm>>
        %dma_start3A_158 = arith.constant 0 : i32
        %dma_start3A_159 = tpu.memref_slice %arg2[%add3A_154, %dma_start3A_158] : memref<4096x4096xf32, #tpu.memory_space<hbm>> -> memref<1x4096xf32, #tpu.memory_space<hbm>>
        %dma_start3A_160 = tpu.memref_squeeze %dma_start3A_159 : memref<1x4096xf32, #tpu.memory_space<hbm>> -> memref<4096xf32, #tpu.memory_space<hbm>>
        tpu.enqueue_dma source(%dma_start3A_160 : memref<4096xf32, #tpu.memory_space<hbm>>) target(%arg7 : memref<4096xf32, #tpu.memory_space<vmem>>) target_semaphore(%arg17 : memref<!tpu.dma_semaphore, #tpu.memory_space<semaphore_mem>>)
      } else {
      }
      %mul3A_132 = arith.constant 4 : i32
      %mul3A_133 = arith.muli %scan3A_72, %mul3A_132 : i32
      %add3A_134 = arith.constant 3 : i32
      %add3A_135 = arith.addi %mul3A_133, %add3A_134 : i32
      %add3A_136 = arith.addi %mul3A_2, %add3A_135 : i32
      %dma_wait3A_137 = arith.constant 0 : i32
      %dma_wait3A_138 = tpu.memref_slice %arg2[%add3A_136, %dma_wait3A_137] : memref<4096x4096xf32, #tpu.memory_space<hbm>> -> memref<1x4096xf32, #tpu.memory_space<hbm>>
      %dma_wait3A_139 = tpu.memref_squeeze %dma_wait3A_138 : memref<1x4096xf32, #tpu.memory_space<hbm>> -> memref<4096xf32, #tpu.memory_space<hbm>>
      %dma_wait3A_140 = arith.constant 0 : i32
      %dma_wait3A_141 = tpu.memref_slice %arg2[%add3A_136, %dma_wait3A_140] : memref<4096x4096xf32, #tpu.memory_space<hbm>> -> memref<1x4096xf32, #tpu.memory_space<hbm>>
      %dma_wait3A_142 = tpu.memref_squeeze %dma_wait3A_141 : memref<1x4096xf32, #tpu.memory_space<hbm>> -> memref<4096xf32, #tpu.memory_space<hbm>>
      tpu.wait_dma2 semaphore(%arg18 : memref<!tpu.dma_semaphore, #tpu.memory_space<semaphore_mem>>) src(%dma_wait3A_142 : memref<4096xf32, #tpu.memory_space<hbm>>) dst(%arg8 : memref<4096xf32, #tpu.memory_space<vmem>>)
      %parallel_loop3A_143 = arith.constant 0 : i32
      %parallel_loop3A_144 = arith.constant 64 : i32
      %parallel_loop3A_145 = arith.constant 1 : i32
      scf.for %parallel_loop3A_154 = %parallel_loop3A_143 to %parallel_loop3A_144 step %parallel_loop3A_145  : i32 {
        %parallel_loop3A_155 = arith.constant 4 : i32
        %parallel_loop3A_156 = arith.muli %parallel_loop3A_154, %parallel_loop3A_155 : i32
        %parallel_loop3A_157 = arith.constant 0 : i32
        %parallel_loop3A_158 = arith.addi %parallel_loop3A_156, %parallel_loop3A_157 : i32
        %parallel_loop3A_159 = arith.constant 16 : i32
        %parallel_loop3A_160 = arith.muli %parallel_loop3A_158, %parallel_loop3A_159 : i32
        %parallel_loop3A_161 = arith.index_cast %parallel_loop3A_160 : i32 to index
        %parallel_loop3A_162 = tpu.vector_load %arg8[%parallel_loop3A_161] {strides = array<i32>} : memref<4096xf32, #tpu.memory_space<vmem>>, vector<16xf32>,
        %parallel_loop3A_163 = arith.mulf %parallel_loop3A_162, %div3A : vector<16xf32>
        %parallel_loop3A_164 = arith.addf %parallel_loop3A_163, %mul3A_45 : vector<16xf32>
        %parallel_loop3A_165 = arith.fptosi %parallel_loop3A_164 : vector<16xf32> to vector<16xi32>
        tpu.vector_store_idx %arg10[%parallel_loop3A_165], %broadcast_in_dim3A_55 {add = true} : memref<2048xf32, #tpu.memory_space<vmem>>[vector<16xi32>], vector<16xf32>,
        %parallel_loop3A_166 = arith.constant 4 : i32
        %parallel_loop3A_167 = arith.muli %parallel_loop3A_154, %parallel_loop3A_166 : i32
        %parallel_loop3A_168 = arith.constant 1 : i32
        %parallel_loop3A_169 = arith.addi %parallel_loop3A_167, %parallel_loop3A_168 : i32
        %parallel_loop3A_170 = arith.constant 16 : i32
        %parallel_loop3A_171 = arith.muli %parallel_loop3A_169, %parallel_loop3A_170 : i32
        %parallel_loop3A_172 = arith.index_cast %parallel_loop3A_171 : i32 to index
        %parallel_loop3A_173 = tpu.vector_load %arg8[%parallel_loop3A_172] {strides = array<i32>} : memref<4096xf32, #tpu.memory_space<vmem>>, vector<16xf32>,
        %parallel_loop3A_174 = arith.mulf %parallel_loop3A_173, %div3A : vector<16xf32>
        %parallel_loop3A_175 = arith.addf %parallel_loop3A_174, %mul3A_45 : vector<16xf32>
        %parallel_loop3A_176 = arith.fptosi %parallel_loop3A_175 : vector<16xf32> to vector<16xi32>
        tpu.vector_store_idx %arg11[%parallel_loop3A_176], %broadcast_in_dim3A_55 {add = true} : memref<2048xf32, #tpu.memory_space<vmem>>[vector<16xi32>], vector<16xf32>,
        %parallel_loop3A_177 = arith.constant 4 : i32
        %parallel_loop3A_178 = arith.muli %parallel_loop3A_154, %parallel_loop3A_177 : i32
        %parallel_loop3A_179 = arith.constant 2 : i32
        %parallel_loop3A_180 = arith.addi %parallel_loop3A_178, %parallel_loop3A_179 : i32
        %parallel_loop3A_181 = arith.constant 16 : i32
        %parallel_loop3A_182 = arith.muli %parallel_loop3A_180, %parallel_loop3A_181 : i32
        %parallel_loop3A_183 = arith.index_cast %parallel_loop3A_182 : i32 to index
        %parallel_loop3A_184 = tpu.vector_load %arg8[%parallel_loop3A_183] {strides = array<i32>} : memref<4096xf32, #tpu.memory_space<vmem>>, vector<16xf32>,
        %parallel_loop3A_185 = arith.mulf %parallel_loop3A_184, %div3A : vector<16xf32>
        %parallel_loop3A_186 = arith.addf %parallel_loop3A_185, %mul3A_45 : vector<16xf32>
        %parallel_loop3A_187 = arith.fptosi %parallel_loop3A_186 : vector<16xf32> to vector<16xi32>
        tpu.vector_store_idx %arg12[%parallel_loop3A_187], %broadcast_in_dim3A_55 {add = true} : memref<2048xf32, #tpu.memory_space<vmem>>[vector<16xi32>], vector<16xf32>,
        %parallel_loop3A_188 = arith.constant 4 : i32
        %parallel_loop3A_189 = arith.muli %parallel_loop3A_154, %parallel_loop3A_188 : i32
        %parallel_loop3A_190 = arith.constant 3 : i32
        %parallel_loop3A_191 = arith.addi %parallel_loop3A_189, %parallel_loop3A_190 : i32
        %parallel_loop3A_192 = arith.constant 16 : i32
        %parallel_loop3A_193 = arith.muli %parallel_loop3A_191, %parallel_loop3A_192 : i32
        %parallel_loop3A_194 = arith.index_cast %parallel_loop3A_193 : i32 to index
        %parallel_loop3A_195 = tpu.vector_load %arg8[%parallel_loop3A_194] {strides = array<i32>} : memref<4096xf32, #tpu.memory_space<vmem>>, vector<16xf32>,
        %parallel_loop3A_196 = arith.mulf %parallel_loop3A_195, %div3A : vector<16xf32>
        %parallel_loop3A_197 = arith.addf %parallel_loop3A_196, %mul3A_45 : vector<16xf32>
        %parallel_loop3A_198 = arith.fptosi %parallel_loop3A_197 : vector<16xf32> to vector<16xi32>
        tpu.vector_store_idx %arg13[%parallel_loop3A_198], %broadcast_in_dim3A_55 {add = true} : memref<2048xf32, #tpu.memory_space<vmem>>[vector<16xi32>], vector<16xf32>,
      } {sc.loop_unroll_factor = 1 : i64, sc.parallel_access}
      %add3A_146 = arith.constant 4 : i32
      %add3A_147 = arith.addi %add3A_135, %add3A_146 : i32
      %lt3A_148 = arith.constant 128 : i32
      %lt3A_149 = arith.cmpi slt, %add3A_147, %lt3A_148 : i32
      %convert_element_type3A_150 = arith.extui %lt3A_149 : i1 to i32
      %cond3A_151 = arith.constant 0 : i32
      %cond3A_152 = arith.cmpi ne, %convert_element_type3A_150, %cond3A_151 : i32
      scf.if %cond3A_152 {
        %add3A_154 = arith.addi %mul3A_2, %add3A_147 : i32
        %dma_start3A_155 = arith.constant 0 : i32
        %dma_start3A_156 = tpu.memref_slice %arg2[%add3A_154, %dma_start3A_155] : memref<4096x4096xf32, #tpu.memory_space<hbm>> -> memref<1x4096xf32, #tpu.memory_space<hbm>>
        %dma_start3A_157 = tpu.memref_squeeze %dma_start3A_156 : memref<1x4096xf32, #tpu.memory_space<hbm>> -> memref<4096xf32, #tpu.memory_space<hbm>>
        %dma_start3A_158 = arith.constant 0 : i32
        %dma_start3A_159 = tpu.memref_slice %arg2[%add3A_154, %dma_start3A_158] : memref<4096x4096xf32, #tpu.memory_space<hbm>> -> memref<1x4096xf32, #tpu.memory_space<hbm>>
        %dma_start3A_160 = tpu.memref_squeeze %dma_start3A_159 : memref<1x4096xf32, #tpu.memory_space<hbm>> -> memref<4096xf32, #tpu.memory_space<hbm>>
        tpu.enqueue_dma source(%dma_start3A_160 : memref<4096xf32, #tpu.memory_space<hbm>>) target(%arg8 : memref<4096xf32, #tpu.memory_space<vmem>>) target_semaphore(%arg18 : memref<!tpu.dma_semaphore, #tpu.memory_space<semaphore_mem>>)
      } else {
      }
      %scan3A_153 = arith.constant 0 : i32
      scf.yield %scan3A_153 : i32
    }
    %scan3A_62 = arith.constant 32 : i32
    %scan3A_63 = arith.constant 0 : i32
    %scan3A_64 = arith.constant 0 : i32
    %scan3A_65 = arith.constant 128 : i32
    %scan3A_66 = arith.addi %scan3A_64, %scan3A_65 : i32
    %scan3A_67 = arith.constant 1 : i32
    %scan3A_68 = scf.for %scan3A_72 = %scan3A_64 to %scan3A_66 step %scan3A_67 iter_args(%scan3A_73 = %scan3A_63) -> (i32)  : i32 {
      %mul3A_74 = arith.constant 16 : i32
      %mul3A_75 = arith.muli %scan3A_72, %mul3A_74 : i32
      %get3A_76 = arith.index_cast %mul3A_75 : i32 to index
      %get3A_77 = tpu.vector_load %arg10[%get3A_76] {strides = array<i32>} : memref<2048xf32, #tpu.memory_space<vmem>>, vector<16xf32>,
      %mul3A_78 = arith.constant 16 : i32
      %mul3A_79 = arith.muli %scan3A_72, %mul3A_78 : i32
      %get3A_80 = arith.index_cast %mul3A_79 : i32 to index
      %get3A_81 = tpu.vector_load %arg11[%get3A_80] {strides = array<i32>} : memref<2048xf32, #tpu.memory_space<vmem>>, vector<16xf32>,
      %add3A_82 = arith.addf %get3A_77, %get3A_81 : vector<16xf32>
      %mul3A_83 = arith.constant 16 : i32
      %mul3A_84 = arith.muli %scan3A_72, %mul3A_83 : i32
      %get3A_85 = arith.index_cast %mul3A_84 : i32 to index
      %get3A_86 = tpu.vector_load %arg12[%get3A_85] {strides = array<i32>} : memref<2048xf32, #tpu.memory_space<vmem>>, vector<16xf32>,
      %add3A_87 = arith.addf %add3A_82, %get3A_86 : vector<16xf32>
      %mul3A_88 = arith.constant 16 : i32
      %mul3A_89 = arith.muli %scan3A_72, %mul3A_88 : i32
      %get3A_90 = arith.index_cast %mul3A_89 : i32 to index
      %get3A_91 = tpu.vector_load %arg13[%get3A_90] {strides = array<i32>} : memref<2048xf32, #tpu.memory_space<vmem>>, vector<16xf32>,
      %add3A_92 = arith.addf %add3A_87, %get3A_91 : vector<16xf32>
      %mul3A_93 = arith.constant 16 : i32
      %mul3A_94 = arith.muli %scan3A_72, %mul3A_93 : i32
      %swap3A = arith.index_cast %mul3A_94 : i32 to index
      %swap3A_95 = tpu.vector_load %arg9[%swap3A] {strides = array<i32>} : memref<2048xf32, #tpu.memory_space<vmem>>, vector<16xf32>,
      tpu.vector_store %arg9[%swap3A], %add3A_92 {strides = array<i32>} : memref<2048xf32, #tpu.memory_space<vmem>>, vector<16xf32>,
      %scan3A_96 = arith.constant 0 : i32
      scf.yield %scan3A_96 : i32
    }
    %scan3A_69 = arith.constant 128 : i32
    %mul3A_70 = arith.constant 2048 : i32
    %mul3A_71 = arith.muli %add3A, %mul3A_70 : i32
    "tpu.region"() ({
      %run_scoped3A_72 = tpu.sem_alloc : memref<!tpu.dma_semaphore, #tpu.memory_space<semaphore_mem>>
      %dma_start3A_73 = tpu.memref_slice %arg4[%mul3A_71] : memref<65536xf32, #tpu.memory_space<hbm>> -> memref<2048xf32, #tpu.memory_space<hbm>>
      %dma_start3A_74 = tpu.memref_slice %arg4[%mul3A_71] : memref<65536xf32, #tpu.memory_space<hbm>> -> memref<2048xf32, #tpu.memory_space<hbm>>
      tpu.enqueue_dma source(%arg9 : memref<2048xf32, #tpu.memory_space<vmem>>) target(%dma_start3A_74 : memref<2048xf32, #tpu.memory_space<hbm>>) target_semaphore(%run_scoped3A_72 : memref<!tpu.dma_semaphore, #tpu.memory_space<semaphore_mem>>)
      %dma_wait3A = tpu.memref_slice %arg4[%mul3A_71] : memref<65536xf32, #tpu.memory_space<hbm>> -> memref<2048xf32, #tpu.memory_space<hbm>>
      %dma_wait3A_75 = tpu.memref_slice %arg4[%mul3A_71] : memref<65536xf32, #tpu.memory_space<hbm>> -> memref<2048xf32, #tpu.memory_space<hbm>>
      tpu.wait_dma2 semaphore(%run_scoped3A_72 : memref<!tpu.dma_semaphore, #tpu.memory_space<semaphore_mem>>) src(%arg9 : memref<2048xf32, #tpu.memory_space<vmem>>) dst(%dma_wait3A_75 : memref<2048xf32, #tpu.memory_space<hbm>>)
      tpu.yield
    }) : () -> ()
    return
  }
}

module attributes {stable_mosaic.version = 14 : i64} {
  func.func @_mm_body(%arg0: i32, %arg1: memref<512x4096xf32, #tpu.memory_space<vmem>>, %arg2: memref<1x16xf32, #tpu.memory_space<smem>>, %arg3: memref<8x128xf32, #tpu.memory_space<vmem>>, %arg4: memref<8x128xf32, #tpu.memory_space<vmem>>) attributes {dimension_semantics = [#tpu.dimension_semantics<arbitrary>], iteration_bounds = array<i64: 8>, scalar_prefetch = 0 : i64, scratch_operands = 2 : i64, tpu.core_type = #tpu.core_type<tc>, window_params = [{transform_indices = @transform_0, window_bounds = array<i64: 512, 4096>}, {transform_indices = @transform_1, window_bounds = array<i64: 1, 16>}]} {
    %get3A = arith.constant 0 : index
    %get3A_0 = arith.constant 0 : index
    %get3A_1 = vector.load %arg1[%get3A, %get3A_0] : memref<512x4096xf32, #tpu.memory_space<vmem>>, vector<512x4096xf32>
    %reshape3A = vector.shape_cast %get3A_1 : vector<512x4096xf32> to vector<64x8x32x128xf32>
    %reduce_min3A = arith.constant dense<0x7F800000> : vector<8x128xf32>
    %reduce_min3A_2 = vector.multi_reduction <minimumf>, %reshape3A, %reduce_min3A [0, 2] : vector<64x8x32x128xf32> to vector<8x128xf32>
    %reduce_max3A = arith.constant dense<0xFF800000> : vector<8x128xf32>
    %reduce_max3A_3 = vector.multi_reduction <maximumf>, %reshape3A, %reduce_max3A [0, 2] : vector<64x8x32x128xf32> to vector<8x128xf32>
    %eq3A = arith.constant 0 : i32
    %eq3A_4 = arith.cmpi eq, %arg0, %eq3A : i32
    %convert_element_type3A = arith.extui %eq3A_4 : i1 to i32
    %cond3A = arith.constant 0 : i32
    %cond3A_5 = arith.cmpi ne, %convert_element_type3A, %cond3A : i32
    scf.if %cond3A_5 {
      %swap3A = arith.constant 0 : index
      %swap3A_15 = arith.constant 0 : index
      %swap3A_16 = vector.load %arg3[%swap3A, %swap3A_15] : memref<8x128xf32, #tpu.memory_space<vmem>>, vector<8x128xf32>
      tpu.vector_store %arg3[%swap3A, %swap3A_15], %reduce_min3A_2 {strides = array<i32>} : memref<8x128xf32, #tpu.memory_space<vmem>>, vector<8x128xf32>,
      %swap3A_17 = arith.constant 0 : index
      %swap3A_18 = arith.constant 0 : index
      %swap3A_19 = vector.load %arg4[%swap3A_17, %swap3A_18] : memref<8x128xf32, #tpu.memory_space<vmem>>, vector<8x128xf32>
      tpu.vector_store %arg4[%swap3A_17, %swap3A_18], %reduce_max3A_3 {strides = array<i32>} : memref<8x128xf32, #tpu.memory_space<vmem>>, vector<8x128xf32>,
    } else {
    }
    %gt3A = arith.constant 0 : i32
    %gt3A_6 = arith.cmpi sgt, %arg0, %gt3A : i32
    %convert_element_type3A_7 = arith.extui %gt3A_6 : i1 to i32
    %cond3A_8 = arith.constant 0 : i32
    %cond3A_9 = arith.cmpi ne, %convert_element_type3A_7, %cond3A_8 : i32
    scf.if %cond3A_9 {
      %get3A_15 = arith.constant 0 : index
      %get3A_16 = arith.constant 0 : index
      %get3A_17 = vector.load %arg3[%get3A_15, %get3A_16] : memref<8x128xf32, #tpu.memory_space<vmem>>, vector<8x128xf32>
      %min3A = arith.minimumf %get3A_17, %reduce_min3A_2 : vector<8x128xf32>
      %swap3A = arith.constant 0 : index
      %swap3A_18 = arith.constant 0 : index
      %swap3A_19 = vector.load %arg3[%swap3A, %swap3A_18] : memref<8x128xf32, #tpu.memory_space<vmem>>, vector<8x128xf32>
      tpu.vector_store %arg3[%swap3A, %swap3A_18], %min3A {strides = array<i32>} : memref<8x128xf32, #tpu.memory_space<vmem>>, vector<8x128xf32>,
      %get3A_20 = arith.constant 0 : index
      %get3A_21 = arith.constant 0 : index
      %get3A_22 = vector.load %arg4[%get3A_20, %get3A_21] : memref<8x128xf32, #tpu.memory_space<vmem>>, vector<8x128xf32>
      %max3A = arith.maximumf %get3A_22, %reduce_max3A_3 : vector<8x128xf32>
      %swap3A_23 = arith.constant 0 : index
      %swap3A_24 = arith.constant 0 : index
      %swap3A_25 = vector.load %arg4[%swap3A_23, %swap3A_24] : memref<8x128xf32, #tpu.memory_space<vmem>>, vector<8x128xf32>
      tpu.vector_store %arg4[%swap3A_23, %swap3A_24], %max3A {strides = array<i32>} : memref<8x128xf32, #tpu.memory_space<vmem>>, vector<8x128xf32>,
    } else {
    }
    %eq3A_10 = arith.constant 7 : i32
    %eq3A_11 = arith.cmpi eq, %arg0, %eq3A_10 : i32
    %convert_element_type3A_12 = arith.extui %eq3A_11 : i1 to i32
    %cond3A_13 = arith.constant 0 : i32
    %cond3A_14 = arith.cmpi ne, %convert_element_type3A_12, %cond3A_13 : i32
    scf.if %cond3A_14 {
      %swap3A = arith.constant 0.000000e+00 : f32
      %swap3A_15 = arith.constant 0 : index
      %swap3A_16 = arith.constant 2 : index
      %swap3A_17 = memref.load %arg2[%swap3A_15, %swap3A_16] : memref<1x16xf32, #tpu.memory_space<smem>>
      memref.store %swap3A, %arg2[%swap3A_15, %swap3A_16] : memref<1x16xf32, #tpu.memory_space<smem>>
      %swap3A_18 = arith.constant 0.000000e+00 : f32
      %swap3A_19 = arith.constant 0 : index
      %swap3A_20 = arith.constant 3 : index
      %swap3A_21 = memref.load %arg2[%swap3A_19, %swap3A_20] : memref<1x16xf32, #tpu.memory_space<smem>>
      memref.store %swap3A_18, %arg2[%swap3A_19, %swap3A_20] : memref<1x16xf32, #tpu.memory_space<smem>>
      %swap3A_22 = arith.constant 0.000000e+00 : f32
      %swap3A_23 = arith.constant 0 : index
      %swap3A_24 = arith.constant 4 : index
      %swap3A_25 = memref.load %arg2[%swap3A_23, %swap3A_24] : memref<1x16xf32, #tpu.memory_space<smem>>
      memref.store %swap3A_22, %arg2[%swap3A_23, %swap3A_24] : memref<1x16xf32, #tpu.memory_space<smem>>
      %swap3A_26 = arith.constant 0.000000e+00 : f32
      %swap3A_27 = arith.constant 0 : index
      %swap3A_28 = arith.constant 5 : index
      %swap3A_29 = memref.load %arg2[%swap3A_27, %swap3A_28] : memref<1x16xf32, #tpu.memory_space<smem>>
      memref.store %swap3A_26, %arg2[%swap3A_27, %swap3A_28] : memref<1x16xf32, #tpu.memory_space<smem>>
      %swap3A_30 = arith.constant 0.000000e+00 : f32
      %swap3A_31 = arith.constant 0 : index
      %swap3A_32 = arith.constant 6 : index
      %swap3A_33 = memref.load %arg2[%swap3A_31, %swap3A_32] : memref<1x16xf32, #tpu.memory_space<smem>>
      memref.store %swap3A_30, %arg2[%swap3A_31, %swap3A_32] : memref<1x16xf32, #tpu.memory_space<smem>>
      %swap3A_34 = arith.constant 0.000000e+00 : f32
      %swap3A_35 = arith.constant 0 : index
      %swap3A_36 = arith.constant 7 : index
      %swap3A_37 = memref.load %arg2[%swap3A_35, %swap3A_36] : memref<1x16xf32, #tpu.memory_space<smem>>
      memref.store %swap3A_34, %arg2[%swap3A_35, %swap3A_36] : memref<1x16xf32, #tpu.memory_space<smem>>
      %swap3A_38 = arith.constant 0.000000e+00 : f32
      %swap3A_39 = arith.constant 0 : index
      %swap3A_40 = arith.constant 8 : index
      %swap3A_41 = memref.load %arg2[%swap3A_39, %swap3A_40] : memref<1x16xf32, #tpu.memory_space<smem>>
      memref.store %swap3A_38, %arg2[%swap3A_39, %swap3A_40] : memref<1x16xf32, #tpu.memory_space<smem>>
      %swap3A_42 = arith.constant 0.000000e+00 : f32
      %swap3A_43 = arith.constant 0 : index
      %swap3A_44 = arith.constant 9 : index
      %swap3A_45 = memref.load %arg2[%swap3A_43, %swap3A_44] : memref<1x16xf32, #tpu.memory_space<smem>>
      memref.store %swap3A_42, %arg2[%swap3A_43, %swap3A_44] : memref<1x16xf32, #tpu.memory_space<smem>>
      %swap3A_46 = arith.constant 0.000000e+00 : f32
      %swap3A_47 = arith.constant 0 : index
      %swap3A_48 = arith.constant 10 : index
      %swap3A_49 = memref.load %arg2[%swap3A_47, %swap3A_48] : memref<1x16xf32, #tpu.memory_space<smem>>
      memref.store %swap3A_46, %arg2[%swap3A_47, %swap3A_48] : memref<1x16xf32, #tpu.memory_space<smem>>
      %swap3A_50 = arith.constant 0.000000e+00 : f32
      %swap3A_51 = arith.constant 0 : index
      %swap3A_52 = arith.constant 11 : index
      %swap3A_53 = memref.load %arg2[%swap3A_51, %swap3A_52] : memref<1x16xf32, #tpu.memory_space<smem>>
      memref.store %swap3A_50, %arg2[%swap3A_51, %swap3A_52] : memref<1x16xf32, #tpu.memory_space<smem>>
      %swap3A_54 = arith.constant 0.000000e+00 : f32
      %swap3A_55 = arith.constant 0 : index
      %swap3A_56 = arith.constant 12 : index
      %swap3A_57 = memref.load %arg2[%swap3A_55, %swap3A_56] : memref<1x16xf32, #tpu.memory_space<smem>>
      memref.store %swap3A_54, %arg2[%swap3A_55, %swap3A_56] : memref<1x16xf32, #tpu.memory_space<smem>>
      %swap3A_58 = arith.constant 0.000000e+00 : f32
      %swap3A_59 = arith.constant 0 : index
      %swap3A_60 = arith.constant 13 : index
      %swap3A_61 = memref.load %arg2[%swap3A_59, %swap3A_60] : memref<1x16xf32, #tpu.memory_space<smem>>
      memref.store %swap3A_58, %arg2[%swap3A_59, %swap3A_60] : memref<1x16xf32, #tpu.memory_space<smem>>
      %swap3A_62 = arith.constant 0.000000e+00 : f32
      %swap3A_63 = arith.constant 0 : index
      %swap3A_64 = arith.constant 14 : index
      %swap3A_65 = memref.load %arg2[%swap3A_63, %swap3A_64] : memref<1x16xf32, #tpu.memory_space<smem>>
      memref.store %swap3A_62, %arg2[%swap3A_63, %swap3A_64] : memref<1x16xf32, #tpu.memory_space<smem>>
      %swap3A_66 = arith.constant 0.000000e+00 : f32
      %swap3A_67 = arith.constant 0 : index
      %swap3A_68 = arith.constant 15 : index
      %swap3A_69 = memref.load %arg2[%swap3A_67, %swap3A_68] : memref<1x16xf32, #tpu.memory_space<smem>>
      memref.store %swap3A_66, %arg2[%swap3A_67, %swap3A_68] : memref<1x16xf32, #tpu.memory_space<smem>>
      %get3A_70 = arith.constant 0 : index
      %get3A_71 = arith.constant 0 : index
      %get3A_72 = vector.load %arg3[%get3A_70, %get3A_71] : memref<8x128xf32, #tpu.memory_space<vmem>>, vector<8x128xf32>
      %reduce_min3A_73 = vector.shape_cast %get3A_72 : vector<8x128xf32> to vector<1x8x128xf32>
      %reduce_min3A_74 = arith.constant dense<0x7F800000> : vector<1xf32>
      %reduce_min3A_75 = vector.multi_reduction <minimumf>, %reduce_min3A_73, %reduce_min3A_74 [1, 2] : vector<1x8x128xf32> to vector<1xf32>
      %reduce_min3A_76 = vector.shape_cast %reduce_min3A_75 : vector<1xf32> to vector<1x1x1xf32>
      %reduce_min3A_77 = vector.extract %reduce_min3A_76[0, 0, 0] : f32 from vector<1x1x1xf32>
      %swap3A_78 = arith.constant 0 : index
      %swap3A_79 = arith.constant 0 : index
      %swap3A_80 = memref.load %arg2[%swap3A_78, %swap3A_79] : memref<1x16xf32, #tpu.memory_space<smem>>
      memref.store %reduce_min3A_77, %arg2[%swap3A_78, %swap3A_79] : memref<1x16xf32, #tpu.memory_space<smem>>
      %get3A_81 = arith.constant 0 : index
      %get3A_82 = arith.constant 0 : index
      %get3A_83 = vector.load %arg4[%get3A_81, %get3A_82] : memref<8x128xf32, #tpu.memory_space<vmem>>, vector<8x128xf32>
      %reduce_max3A_84 = vector.shape_cast %get3A_83 : vector<8x128xf32> to vector<1x8x128xf32>
      %reduce_max3A_85 = arith.constant dense<0xFF800000> : vector<1xf32>
      %reduce_max3A_86 = vector.multi_reduction <maximumf>, %reduce_max3A_84, %reduce_max3A_85 [1, 2] : vector<1x8x128xf32> to vector<1xf32>
      %reduce_max3A_87 = vector.shape_cast %reduce_max3A_86 : vector<1xf32> to vector<1x1x1xf32>
      %reduce_max3A_88 = vector.extract %reduce_max3A_87[0, 0, 0] : f32 from vector<1x1x1xf32>
      %swap3A_89 = arith.constant 0 : index
      %swap3A_90 = arith.constant 1 : index
      %swap3A_91 = memref.load %arg2[%swap3A_89, %swap3A_90] : memref<1x16xf32, #tpu.memory_space<smem>>
      memref.store %reduce_max3A_88, %arg2[%swap3A_89, %swap3A_90] : memref<1x16xf32, #tpu.memory_space<smem>>
    } else {
    }
    return
  }
  func.func @transform_0(%arg0: i32) -> (i32, i32) {
    %c0_i32 = arith.constant 0 : i32
    %c0_i32_0 = arith.constant 0 : i32
    return %arg0, %c0_i32 : i32, i32
  }
  func.func @transform_1(%arg0: i32) -> (i32, i32) {
    %c0_i32 = arith.constant 0 : i32
    %c0_i32_0 = arith.constant 0 : i32
    %c0_i32_1 = arith.constant 0 : i32
    return %c0_i32, %c0_i32_0 : i32, i32
  }
}

</mosaic_0001>

<sc_bundles>
// kernel: kernel.4.cloned.1.call-start
scs
__scs_entry_jumppad:
0x0: {  	(pc) =	sbr.rel $0x88, $3  }
0x1: {  	(tag) =	ssettag $0x0;
	lr =	simm.s32 $0x1  }
0x2: {  	[smem:$0x3FA0] =	sst lr;
	_ =	strace $0xD0000000  }
0x3: {  	_ = 	snop  }
0x4: {  	_ = 	snop  }
0x5: {  	_ = 	snop  }
0x6: {  	_ = 	snop  }
0x7: {  	_ = 	snop  }
__scs_overlays_trampoline_lowered:
0x8: {  	[smem:$0x3FAF] =	sst s0  }
0x9: {  	[smem:$0x3FB0] =	sst s1  }
0xa: {  	[smem:$0x3FB1] =	sst s2  }
0xb: {  	[smem:$0x3FB2] =	sst s3  }
0xc: {  	[smem:$0x3FB3] =	sst s4  }
0xd: {  	[smem:$0x3FB4] =	sst s5  }
0xe: {  	[smem:$0x3FB5] =	sst s6  }
0xf: {  	[smem:$0x3FB6] =	sst s7  }
0x10: {  	[smem:$0x3FB7] =	sst s8  }
0x11: {  	[smem:$0x3FB8] =	sst s9;
	s0 =	simm.s32 @!p0 $0x0  }
0x12: {  	s1 =	sld [smem:$0x3F9E];
	s0 =	simm.s32 @p0 $0x1  }
0x13: {  	[smem:$0x3FB9] =	sst s0;
	s0 =	simm.s32 @!p1 $0x0  }
0x14: {  	s2 =	sld [smem:$0x3F9D];
	s0 =	simm.s32 @p1 $0x1  }
0x15: {  	[smem:$0x3FBA] =	sst s0;
	s0 =	simm.s32 @!p2 $0x0  }
0x16: {  	s3 =	sld [smem:$0x3FDB];
	s0 =	simm.s32 @p2 $0x1  }
0x17: {  	s4 =	simm.s32 $0x1BF5;
	[smem:$0x3FBC] =	sst s0  }
0x18: {  	s0 =	sld [smem:$0x3F9F];
	_ =	swait.ge [sflag:s4], $0x0  }
0x19: {  	s7 =	sld [smem:$0x3FA0]  }
0x1a: {  	s8 =	sadd.s32 $0xFFFFE003, lr  }
0x1b: {  	s9 =	sadd.s32 $0xFFFFFEF7, lr;
	s5 =	simm.s32 $0xFFFFFFFF;
	p2 =	slt.u32 s8, $0xFFFFF086  }
0x1c: {  	p1 =	slt.u32 s9, $0xF7A;
	s5 =	simm.s32 @!p2 $0x0  }
0x1d: {  	s5 =	simm.s32 @p1 $0x1;
	p0 =	seq.s32 s7, s2  }
0x1e: {  	s7 =	smul.u32 @!p0 $0xF7A, s2;
	p2 =	seq.s32 @!p0 s5, $0x0  }
0x1f: {  	s9 =	smul.u32 $0xF7A, s1;
	s8 =	simm.s32 @!p0 $0x1BF5;
	p2 =	por !p2, p0  }
0x20: {  	[sflag:s8] =	ssyncset.s32 @!p0 $0xFFFFF086;
	s6 =	sadd.s32 @!p0 s3, s7;
	s7 =	simm.s32 @!p0 $0x108  }
0x21: {  	s3 =	sadd.s32 s3, s9;
	s6 =	sadd.s32 @!p0 $0x88, s6;
	s7 =	simm.s32 @p2 $0x1082  }
0x22: {  	[simem:s7], [sflag:s8] =	dma.local @!p0 [hbm:s6], $0xF7A  }
0x23: {  	s9 =	sor.u32 $0xD0000000, s2;
	s6 =	simm.s32 $0x108;
	_ =	swait.ge @!p0 [sflag:s8], $0x0  }
0x24: {  	s3 =	sadd.s32 $0x88, s3;
	s6 =	simm.s32 @!p1 $0x1082;
	[sflag:s4] =	ssyncset.s32 $0xFFFFF086  }
0x25: {  	[simem:s6], [sflag:s4] =	dma.local [hbm:s3], $0xF7A  }
0x26: {  	[smem:$0x3FA0] =	sst s1;
	(tag) =	ssettag s2;
	_ =	strace s9  }
0x27: {  	s1 =	sld [smem:$0x3FB0]  }
0x28: {  	s2 =	sld [smem:$0x3FB1]  }
0x29: {  	s4 =	sld [smem:$0x3FB3]  }
0x2a: {  	p0 =	seq.s32 s5, $0x0;
	s5 =	sld [smem:$0x3FB4]  }
0x2b: {  	s6 =	sld [smem:$0x3FB5]  }
0x2c: {  	s7 =	sld [smem:$0x3FB6]  }
0x2d: {  	s3 =	simm.s32 $0x108;
	s8 =	sld [smem:$0x3FB7]  }
0x2e: {  	s3 =	simm.s32 @!p0 $0x1082;
	s9 =	sld [smem:$0x3FB8]  }
0x2f: {  	lr =	sadd.s32 s0, s3;
	s0 =	sld [smem:$0x3FAF]  }
0x30: {  	s3 =	sld [smem:$0x3FB2]  }
0x31: {  	[smem:$0x3FBB] =	sst s10  }
0x32: {  	s10 =	sld [smem:$0x3FB9];
	_ =	sdelay $0x3  }
0x33: {  	p0 =	seq.s32 s10, $0x1;
	s10 =	sld [smem:$0x3FBB];
	_ =	sdelay $0x3  }
0x34: {  	[smem:$0x3FBB] =	sst s10  }
0x35: {  	s10 =	sld [smem:$0x3FBA];
	_ =	sdelay $0x3  }
0x36: {  	p1 =	seq.s32 s10, $0x1;
	s10 =	sld [smem:$0x3FBB];
	_ =	sdelay $0x3  }
0x37: {  	[smem:$0x3FBB] =	sst s10  }
0x38: {  	s10 =	sld [smem:$0x3FBC]  }
0x39: {  	_ = 	snop;
	(pc) =	sbr.ind lr, $3  }
0x3a: {  	_ = 	snop  }
0x3b: {  	_ = 	snop  }
0x3c: {  	p2 =	seq.s32 s10, $0x1;
	s10 =	sld [smem:$0x3FBB]  }
0x3d: {  	_ =	shalt  }
0x3e: {  	_ =	shalt  }
0x3f: {  	_ =	shalt  }
0x40: {  	_ =	shalt  }
0x41: {  	_ =	shalt  }
0x42: {  	_ =	shalt  }
0x43: {  	_ =	shalt  }
0x44: {  	_ =	shalt  }
0x45: {  	_ =	shalt  }
0x46: {  	_ =	shalt  }
0x47: {  	_ =	shalt  }
0x48: {  	_ =	shalt  }
0x49: {  	_ =	shalt  }
0x4a: {  	_ =	shalt  }
0x4b: {  	_ =	shalt  }
0x4c: {  	_ =	shalt  }
0x4d: {  	_ =	shalt  }
0x4e: {  	_ =	shalt  }
0x4f: {  	_ =	shalt  }
0x50: {  	_ =	shalt  }
0x51: {  	_ =	shalt  }
0x52: {  	_ =	shalt  }
0x53: {  	_ =	shalt  }
0x54: {  	_ =	shalt  }
0x55: {  	_ =	shalt  }
0x56: {  	_ =	shalt  }
0x57: {  	_ =	shalt  }
0x58: {  	_ =	shalt  }
0x59: {  	_ =	shalt  }
0x5a: {  	_ =	shalt  }
0x5b: {  	_ =	shalt  }
0x5c: {  	_ =	shalt  }
0x5d: {  	_ =	shalt  }
0x5e: {  	_ =	shalt  }
0x5f: {  	_ =	shalt  }
0x60: {  	_ =	shalt  }
0x61: {  	_ =	shalt  }
0x62: {  	_ =	shalt  }
0x63: {  	_ =	shalt  }
0x64: {  	_ =	shalt  }
0x65: {  	_ =	shalt  }
0x66: {  	_ =	shalt  }
0x67: {  	_ =	shalt  }
0x68: {  	_ =	shalt  }
0x69: {  	_ =	shalt  }
0x6a: {  	_ =	shalt  }
0x6b: {  	_ =	shalt  }
0x6c: {  	_ =	shalt  }
0x6d: {  	_ =	shalt  }
0x6e: {  	_ =	shalt  }
0x6f: {  	_ =	shalt  }
0x70: {  	_ =	shalt  }
0x71: {  	_ =	shalt  }
0x72: {  	_ =	shalt  }
0x73: {  	_ =	shalt  }
0x74: {  	_ =	shalt  }
0x75: {  	_ =	shalt  }
0x76: {  	_ =	shalt  }
0x77: {  	_ =	shalt  }
0x78: {  	_ =	shalt  }
0x79: {  	_ =	shalt  }
0x7a: {  	_ =	shalt  }
0x7b: {  	_ =	shalt  }
0x7c: {  	_ =	shalt  }
0x7d: {  	_ =	shalt  }
0x7e: {  	_ =	shalt  }
0x7f: {  	_ =	shalt  }
0x80: {  	_ =	shalt  }
0x81: {  	_ =	shalt  }
0x82: {  	_ =	shalt  }
0x83: {  	_ =	shalt  }
0x84: {  	_ =	shalt  }
0x85: {  	_ =	shalt  }
0x86: {  	_ =	shalt  }
0x87: {  	_ =	shalt  }
.Lfunc_end0:
.L_simem_size_0:
called_computation_lowered:
.L_overlay_start_0:
0x88: {  	s2 =	sld [smem:$0x3FD9]  }
0x89: {  	s3 =	sld [smem:$0x3FFE];
	_ =	sdelay $0x1  }
0x8a: {  	s1 =	srdreg.scid  }
0x8b: {  	s0 =	sand.u32 $0x1, s1  }
0x8c: {  	s15 =	sshll.u32 s0, $0xA;
	s2 =	sadd.s32 s3, s2  }
0x8d: {  	s2 =	sadd.s32 s2, s15  }
0x8e: {  	[smem:$0x3FC7] =	sst s2  }
0x8f: {  	_ = 	snop  }
0x90: {  	s2 =	sld [smem:$0x3FD0];
	_ =	sdelay $0x2  }
0x91: {  	s4 =	simm.s32 $0xA;
	s5 =	simm.s32 $0x10;
	s16 =	sld [smem:$0x3FC9]  }
0x92: {  	[smem:s5], [sflag:s4] =	dma.local [hbm:s2], $0x1  }
0x93: {  	_ =	swait.eq [sflag:s4], $0x1  }
0x94: {  	[sflag:s4] =	ssyncset.done $0x0  }
0x95: {  	s17 =	sld [smem:$0x10];
	[sflag:s4] =	ssyncadd.s32 $0xFFFFFFFF  }
0x96: {  	s18 =	sld [smem:$0x11];
	(tm) =	ssettm $0x1  }
0x97: {  	s19 =	sld [smem:$0x3FFB];
	_ =	sdelay $0x3  }
0x98: {  	_ =	strace s19  }
0x99: {  	s5 =	sld [smem:$0x3FFC];
	_ =	sdelay $0x3  }
0x9a: {  	_ =	strace s5  }
0x9b: {  	s5 =	sld [smem:$0x3FFD];
	_ =	sdelay $0x3  }
0x9c: {  	_ =	strace s5  }
0x9d: {  	_ =	strace $0x8FFFFFFF  }
0x9e: {  	s20 =	sld [smem:$0x3FDB];
	_ =	sdelay $0x1  }
0x9f: {  	s6 =	simm.s32 $_scs_section_size  }
0xa0: {  	s7 =	simm.s32 $_size__tile_overlayer_lowered;
	s8 =	simm.s32 $_tile_overlayer_lowered  }
0xa1: {  	s23 =	simm.s32 $0x1BFF;
	s22 =	sshll.u32 s8, $0x1;
	s5 =	sadd.s32 s6, s20  }
0xa2: {  	s9 =	simm.s32 $0x0;
	s21 =	sshll.u32 s7, $0x1;
	s7 =	sadd.s32 s22, s5  }
0xa3: {  	[timem:s9], [sflag:s23] =	dma.local [hbm:s7], s21  }
0xa4: {  	_ =	swait.ge [sflag:s23], s21  }
0xa5: {  	s6 =	ssub.s32 $0x0, s21;
	[sflag:s23] =	ssyncset.done $0x0  }
0xa6: {  	[sflag:s23] =	ssyncadd.s32 s6;
	_ =	sdelay $0x1  }
0xa7: {  	s24 =	simm.s32 $0x1B8B  }
0xa8: {  	_ =	swait.ge [sflag:s24], $0x1  }
0xa9: {  	[sflag:s24] =	ssyncset.done $0x0  }
0xaa: {  	s25 =	simm.s32 $0x1B8E;
	[sflag:s24] =	ssyncadd.s32 $0xFFFFFFFF  }
0xab: {  	s26 =	simm.s32 $execute0_lowered;
	[smem:$0x3FD2] =	sst s25  }
0xac: {  	s6 =	sshll.u32 s26, $0x1;
	_ =	strace $0x80000046;
	[dreg:$0x1] =	wrdreg $0xFFFFFFFF  }
0xad: {  	s28 =	simm.s32 $_size_execute0_lowered;
	s5 =	sadd.s32 s5, s6;
	[dreg:$0x0] =	wrdreg $0x0  }
0xae: {  	s6 =	sshll.u32 s28, $0x1;
	[dreg:$0x2] =	wrdreg s5  }
0xaf: {  	[dreg:$0x3] =	wrdreg s6  }
0xb0: {  	[dreg:$0x4] =	wrdreg $0xC0  }
0xb1: {  	_ =	task [dreg:s9], $0x5FFFF  }
0xb2: {  	[dreg:$0x1] =	wrdreg $0xFFFFFFFF  }
0xb3: {  	[dreg:$0x0] =	wrdreg $0x60  }
0xb4: {  	[dreg:$0x2] =	wrdreg s16  }
0xb5: {  	[dreg:$0x3] =	wrdreg s18  }
0xb6: {  	[dreg:$0x4] =	wrdreg s17  }
0xb7: {  	[dreg:$0x5] =	wrdreg $0x9  }
0xb8: {  	_ =	task.clear_ibuf [dreg:s9], $0x6FFFF;
	_ =	strace $0x90000046  }
0xb9: {  	s29 =	simm.s32 $0x9;
	_ =	strace $0x80000048  }
0xba: {  	_ =	swait.ge [sflag:s29], $0x1  }
0xbb: {  	[sflag:s29] =	ssyncadd.s32 $0xFFFFFFFF  }
0xbc: {  	_ =	strace $0x90000048  }
0xbd: {  	_ =	sfence  }
0xbe: {  	s30 =	sld [smem:$0x0];
	_ =	sdelay $0x2  }
0xbf: {  	s31 =	sshll.u32 s1, $0xD;
	s1 =	sshrl.u32 s1, $0x2  }
0xc0: {  	s3 =	sand.u32 $0x4000, s31;
	s1 =	sadd.s32 s1, s30  }
0xc1: {  	s0 =	sor.u32 s3, s0;
	s1 =	sshll.u32 s1, $0x11  }
0xc2: {  	s0 =	sor.u32 s1, s0  }
0xc3: {  	s0 =	sadd.s32 $0x8F2B, s0  }
0xc4: {  	[sflag:s0] =	ssyncadd.remote.s32 $0x1  }
0xc5: {  	_ =	sfence.sel $0xFFFF  }
0xc6: {  	[dreg:$0x0] =	wrdreg $0xFFFFFFFF;
	(pc) =	sbr.abs _section_cstart, $3  }
0xc7: {  	[dreg:$0x1] =	wrdreg $0xFFFFFFFF  }
0xc8: {  	_ =	task.clear_ibuf [dreg:s9], $0x2FFFF;
	_ =	strace $0x9FFFFFFF  }
0xc9: {  	(tm) =	ssettm $0x7FFFFFFF  }
tec
execute0_lowered:
.L_overlay_start_1:
0x0: {  	(tag) =	ssettag $0x1  }
0x1: {  	s2 =	rddreg [dreg:$0x0]  }
0x2: {  	s0 =	rddreg [dreg:$0x2]  }
0x3: {  	s1 =	srdreg.scid;
	s3 =	stileid.u32  }
0x4: {  	s4 =	simm.s32 $0x0;
	s12 =	simm.s32 $0x80;
	s13 =	simm.s32 $0x400  }
0x5: {  	s16 =	simm.s32 $0x3000;
	s18 =	simm.s32 $0x5;
	s19 =	simm.s32 $0x1  }
0x6: {  	s20 =	simm.s32 $0x4800;
	s21 =	simm.s32 $0x5000;
	s22 =	simm.s32 $0x5800  }
0x7: {  	s23 =	simm.s32 $0x6000;
	s24 =	simm.s32 $0x2;
	s25 =	simm.s32 $0x3  }
0x8: {  	s26 =	simm.s32 $0x4;
	s1 =	sand.u32 $0x1, s1;
	s3 =	sshll.u32 s3, $0x1  }
0x9: {  	s29 =	simm.s32 $0x0;
	s5 =	ssub.s32 $0x2, s1;
	s1 =	sor.u32 s1, s3  }
0xa: {  	[smem:$0x7FF] =	sst s4;
	s30 =	sshrl.u32 s5, $0x1;
	s6 =	sshll.u32 s1, $0x10  }
0xb: {  	_ =	strace $0x80000047;
	s3 =	ssub.s32 s5, s30;
	s5 =	sadd.s32 s2, s6  }
0xc: {  	s6 =	sshll.u32 s1, $0x7;
	s1 =	sshll.u32 s1, $0x8;
	s7 =	sadd.s32 $0x10, s5  }
0xd: {  	s31 =	sadd.s32 $0x20, s5;
	s9 =	sadd.s32 $0x30, s5;
	[dreg:$0x4] =	wrdreg s7  }
0xe: {  	v0 =	vimm.f32 $0.0e+00;
	v1 =	vimm.f32 $1.000000000e+00;
	s10 =	sadd.s32 s0, s1;
	s11 =	smax.u32 s3, $0x1;
	[dreg:$0x5] =	wrdreg s31  }
.LBB2_1:
0xf: {  	[tilespmem:s4], [sflag:$0x1] =	stream.strided.gather [hbm4b:s5+s12], $0x1000, s13, s12, $0x38;
	[tilespmem:$0x6880] =	vst v63  }
0x10: {  	s0 =	rddreg [dreg:$0x4];
	s1 =	simm.s32 $0x1000  }
0x11: {  	[tilespmem:s1], [sflag:$0x2] =	stream.strided.gather [hbm4b:s0+s12], $0x1000, s13, s12, $0x38;
	[tilespmem:$0x6880] =	vst v63  }
0x12: {  	s17 =	rddreg [dreg:$0x5];
	s28 =	simm.s32 $0x2000  }
0x13: {  	[tilespmem:s28], [sflag:$0x3] =	stream.strided.gather [hbm4b:s17+s12], $0x1000, s13, s12, $0x38;
	[tilespmem:$0x6880] =	vst v63  }
0x14: {  	_ = 	snop  }
0x15: {  	[tilespmem:s16], [sflag:$0x4] =	stream.strided.gather [hbm4b:s9+s12], $0x1000, s13, s12, $0x38;
	[tilespmem:$0x6880] =	vst v63  }
0x16: {  	s30 =	rddreg [dreg:$0x1];
	s31 =	simm.s32 $0x6800  }
0x17: {  	[tilespmem:s31], [sflag:$0x5] =	stream.linear.gather [hbm4b:s30+s4], $0x80, $0x38;
	[tilespmem:$0x6880] =	vst v63  }
0x18: {  	_ =	swait.ge [sflag:s18], $0x80  }
0x19: {  	[sflag:s18] =	ssyncset.done $0x0  }
0x1a: {  	[sflag:s18] =	ssyncadd.s32 $0xFFFFFF80  }
0x1b: {  	s1 =	simm.s32 $0x40;
	s0 =	simm.s32 $0x0;
	v2 =	vld [tilespmem:$0x6800]  }
.LBB2_2:
0x1c: {  	p0 =	sne.s32 s1, $0x1FC0;
	[tilespmem:s0+$0x6000] =	vst v0;
	s3 =	smov.u32 s1;
	s1 =	sadd.s32 $0x40, s1  }
.Ltmp0:
0x1d: {  	[tilespmem:s0+$0x5800] =	vst v0;
	(pc) =	sbr.rel @p0 .LBB2_2-.Ltmp0, $3  }
0x1e: {  	[tilespmem:s0+$0x4800] =	vst v0  }
0x1f: {  	[tilespmem:s0+$0x5000] =	vst v0;
	_ =	sdelay $0x1  }
0x20: {  	s0 =	sshra.s32 s3, $0x2  }
0x21: {  	(v2sf) =	vpush v2, $0x0  }
0x22: {  	(v2sf) =	vpush v2, $0x1;
	_ =	sdelay $0xd  }
0x23: {  	s1 =	spop (v2sf)  }
0x24: {  	s3 =	spop (v2sf)  }
0x25: {  	s3 =	ssub.f32 s3, s1;
	_ =	sdelay $0x1  }
0x26: {  	p0 =	seq.f32 s3, $0.0e+00;
	_ =	sdelay $0x1  }
0x27: {  	s3 =	simm.s32 @p0 $0x3F800000  }
0x28: {  	v2 =	vmov s3  }
0x29: {  	(erf) = vrcp.f32 v2;
	_ =	sdelay $0x8  }
0x2a: {  	v2 =	vpop (erf)  }
0x2b: {  	[tilespmem:s0+$0x6000] =	vst v0;
	s1 =	ssub.f32 $0.0e+00, s1;
	v2 =	vmul.f32 $2.047996090e+03, v2  }
0x2c: {  	[tilespmem:s0+$0x5800] =	vst v0  }
0x2d: {  	[tilespmem:s0+$0x4800] =	vst v0;
	v3 =	vmul.f32 s1, v2  }
0x2e: {  	[tilespmem:s0+$0x5000] =	vst v0;
	s30 =	simm.s32 $0x0  }
.LBB2_4:
0x2f: {  	_ =	swait.ge [sflag:s19], $0x1000  }
0x30: {  	[sflag:s19] =	ssyncset.done $0x0  }
0x31: {  	s15 =	simm.s32 $0x0;
	[sflag:s19] =	ssyncadd.s32 $0xFFFFF000  }
0x32: {  	v4 =	vld [tilespmem:s15+$0x0];
	_ =	sdelay $0x4  }
0x33: {  	v4 =	vmul.f32 v4, v2;
	_ =	sdelay $0x1  }
0x34: {  	s17 =	simm.s32 $0x40;
	v4 =	vadd.f32 v4, v3  }
0x35: {  	v5 =	vld [tilespmem:s17+$0x0]  }
0x36: {  	v4 =	vtrunc.f32 v4  }
0x37: {  	v4 =	vcvt.f32.s32 v4;
	_ =	sdelay $0x2  }
0x38: {  	v5 =	vmul.f32 v5, v2  }
0x39: {  	s31 =	simm.s32 $0x80  }
0x3a: {  	v6 =	vld [tilespmem:s31+$0x0];
	v5 =	vadd.f32 v5, v3  }
0x3b: {  	[tilespmem:v4+s20+$0x0] =	vst.idx.add.f32.msk $0xffff, v1  }
0x3c: {  	v4 =	vtrunc.f32 v5;
	v5 =	vld [tilespmem:s15+$0x10]  }
0x3d: {  	v4 =	vcvt.f32.s32 v4;
	_ =	sdelay $0x1  }
0x3e: {  	v6 =	vmul.f32 v6, v2  }
0x3f: {  	s0 =	simm.s32 $0xC0  }
0x40: {  	v7 =	vld [tilespmem:s0+$0x0];
	v6 =	vadd.f32 v6, v3;
	v5 =	vmul.f32 v5, v2;
	_ =	sdelay $0x1  }
0x41: {  	[tilespmem:v4+s20+$0x0] =	vst.idx.add.f32.msk $0xffff, v1;
	v4 =	vtrunc.f32 v6;
	v5 =	vadd.f32 v5, v3  }
0x42: {  	v6 =	vld [tilespmem:s17+$0x10];
	v4 =	vcvt.f32.s32 v4  }
0x43: {  	v5 =	vtrunc.f32 v5  }
0x44: {  	v7 =	vmul.f32 v7, v2;
	v5 =	vcvt.f32.s32 v5  }
0x45: {  	s1 =	simm.s32 $0x100  }
0x46: {  	v8 =	vld [tilespmem:s1+$0x0];
	v7 =	vadd.f32 v7, v3  }
0x47: {  	v6 =	vmul.f32 v6, v2  }
0x48: {  	[tilespmem:v4+s20+$0x0] =	vst.idx.add.f32.msk $0xffff, v1;
	v4 =	vtrunc.f32 v7  }
0x49: {  	v6 =	vadd.f32 v6, v3;
	v7 =	vld [tilespmem:s31+$0x10];
	v4 =	vcvt.f32.s32 v4  }
0x4a: {  	[tilespmem:v5+s21+$0x0] =	vst.idx.add.f32.msk $0xffff, v1  }
0x4b: {  	v8 =	vmul.f32 v8, v2;
	v5 =	vtrunc.f32 v6;
	v6 =	vld [tilespmem:s15+$0x20]  }
0x4c: {  	s3 =	simm.s32 $0x140;
	v5 =	vcvt.f32.s32 v5  }
0x4d: {  	v9 =	vld [tilespmem:s3+$0x0];
	v8 =	vadd.f32 v8, v3  }
0x4e: {  	v7 =	vmul.f32 v7, v2  }
0x4f: {  	[tilespmem:v4+s20+$0x0] =	vst.idx.add.f32.msk $0xffff, v1;
	v4 =	vtrunc.f32 v8  }
0x50: {  	v7 =	vadd.f32 v7, v3;
	v4 =	vcvt.f32.s32 v4;
	v6 =	vmul.f32 v6, v2  }
0x51: {  	v8 =	vld [tilespmem:s0+$0x10]  }
0x52: {  	v9 =	vmul.f32 v9, v2;
	[tilespmem:v5+s21+$0x0] =	vst.idx.add.f32.msk $0xffff, v1;
	v5 =	vtrunc.f32 v7;
	v6 =	vadd.f32 v6, v3  }
0x53: {  	v7 =	vld [tilespmem:s17+$0x20];
	v5 =	vcvt.f32.s32 v5  }
0x54: {  	s14 =	simm.s32 $0x180;
	v9 =	vadd.f32 v9, v3;
	v6 =	vtrunc.f32 v6  }
0x55: {  	v10 =	vld [tilespmem:s14+$0x0];
	v6 =	vcvt.f32.s32 v6  }
0x56: {  	v8 =	vmul.f32 v8, v2;
	[tilespmem:v4+s20+$0x0] =	vst.idx.add.f32.msk $0xffff, v1;
	v4 =	vtrunc.f32 v9  }
0x57: {  	v4 =	vcvt.f32.s32 v4  }
0x58: {  	v9 =	vld [tilespmem:s1+$0x10];
	v8 =	vadd.f32 v8, v3;
	v7 =	vmul.f32 v7, v2  }
0x59: {  	[tilespmem:v5+s21+$0x0] =	vst.idx.add.f32.msk $0xffff, v1  }
0x5a: {  	v10 =	vmul.f32 v10, v2;
	v5 =	vtrunc.f32 v8;
	v7 =	vadd.f32 v7, v3;
	v8 =	vld [tilespmem:s31+$0x20]  }
0x5b: {  	v5 =	vcvt.f32.s32 v5;
	[tilespmem:v6+s22+$0x0] =	vst.idx.add.f32.msk $0xffff, v1  }
0x5c: {  	v10 =	vadd.f32 v10, v3;
	v6 =	vtrunc.f32 v7;
	v7 =	vld [tilespmem:s15+$0x30]  }
0x5d: {  	v9 =	vmul.f32 v9, v2;
	s15 =	simm.s32 $0x1C0;
	v6 =	vcvt.f32.s32 v6;
	[tilespmem:v4+s20+$0x0] =	vst.idx.add.f32.msk $0xffff, v1  }
0x5e: {  	v4 =	vtrunc.f32 v10;
	v11 =	vld [tilespmem:s15+$0x0]  }
0x5f: {  	v9 =	vadd.f32 v9, v3;
	v4 =	vcvt.f32.s32 v4;
	v8 =	vmul.f32 v8, v2  }
0x60: {  	v10 =	vld [tilespmem:s3+$0x10]  }
0x61: {  	[tilespmem:v5+s21+$0x0] =	vst.idx.add.f32.msk $0xffff, v1;
	v5 =	vtrunc.f32 v9;
	v8 =	vadd.f32 v8, v3;
	v7 =	vmul.f32 v7, v2  }
0x62: {  	v9 =	vld [tilespmem:s0+$0x20];
	v12 =	vcvt.f32.s32 v5  }
0x63: {  	[tilespmem:v6+s22+$0x0] =	vst.idx.add.f32.msk $0xffff, v1;
	v11 =	vmul.f32 v11, v2;
	v6 =	vtrunc.f32 v8;
	v7 =	vadd.f32 v7, v3  }
0x64: {  	v5 =	vld [tilespmem:s17+$0x30];
	v6 =	vcvt.f32.s32 v6  }
0x65: {  	v10 =	vmul.f32 v10, v2;
	s17 =	simm.s32 $0x200;
	[tilespmem:v4+s20+$0x0] =	vst.idx.add.f32.msk $0xffff, v1;
	v11 =	vadd.f32 v11, v3;
	v7 =	vtrunc.f32 v7  }
0x66: {  	v8 =	vld [tilespmem:s17+$0x0];
	v4 =	vcvt.f32.s32 v7  }
0x67: {  	v9 =	vmul.f32 v9, v2;
	v13 =	vtrunc.f32 v11;
	v7 =	vld [tilespmem:s14+$0x10];
	v11 =	vadd.f32 v10, v3  }
0x68: {  	s28 =	simm.s32 $0x900;
	[tilespmem:v12+s21+$0x0] =	vst.idx.add.f32.msk $0xffff, v1;
	v10 =	vcvt.f32.s32 v13  }
.LBB2_5:
0x69: {  	p0 =	sne.s32 s28, $0x3F00;
	v11 =	vtrunc.f32 v11;
	v12 =	vld [tilespmem:s1+$0x20];
	v9 =	vadd.f32 v9, v3;
	v13 =	vmul.f32 v5, v2  }
0x6a: {  	v14 =	vcvt.f32.s32 v11;
	[tilespmem:v6+s22+$0x0] =	vst.idx.add.f32.msk $0xffff, v1  }
0x6b: {  	v11 =	vmul.f32 v8, v2;
	v6 =	vtrunc.f32 v9;
	v5 =	vld [tilespmem:s31+$0x30];
	v9 =	vadd.f32 v13, v3;
	s31 =	smov.u32 s0;
	s0 =	smov.u32 s1;
	s1 =	smov.u32 s3  }
.Ltmp1:
0x6c: {  	s7 =	sshra.s32 s28, $0x2;
	s3 =	smov.u32 s14;
	v6 =	vcvt.f32.s32 v6;
	[tilespmem:v4+s23+$0x0] =	vst.idx.add.f32.msk $0xffff, v1;
	(pc) =	sbr.rel @p0 .LBB2_5-.Ltmp1, $4  }
0x6d: {  	s14 =	smov.u32 s15;
	s15 =	smov.u32 s17;
	s17 =	smov.u32 s7;
	v11 =	vadd.f32 v11, v3;
	v13 =	vmul.f32 v7, v2;
	v8 =	vld [tilespmem:s7+$0x0];
	v4 =	vtrunc.f32 v9  }
0x6e: {  	[tilespmem:v10+s20+$0x0] =	vst.idx.add.f32.msk $0xffff, v1;
	v4 =	vcvt.f32.s32 v4  }
0x6f: {  	v10 =	vtrunc.f32 v11;
	v11 =	vadd.f32 v13, v3;
	v9 =	vmul.f32 v12, v2;
	v7 =	vld [tilespmem:s14+$0x10]  }
0x70: {  	s28 =	sadd.s32 $0x100, s28;
	v10 =	vcvt.f32.s32 v10;
	[tilespmem:v14+s21+$0x0] =	vst.idx.add.f32.msk $0xffff, v1  }
0x71: {  	_ = 	snop  }
0x72: {  	v8 =	vmul.f32 v8, v2;
	_ =	sdelay $0x1  }
0x73: {  	v8 =	vadd.f32 v8, v3;
	_ =	sdelay $0x1  }
0x74: {  	v8 =	vtrunc.f32 v8  }
0x75: {  	v8 =	vcvt.f32.s32 v8;
	_ =	sdelay $0x1  }
0x76: {  	[tilespmem:v10+s20+$0x0] =	vst.idx.add.f32.msk $0xffff, v1  }
0x77: {  	v10 =	vld [tilespmem:s15+$0x10];
	_ =	sdelay $0x1  }
0x78: {  	v7 =	vmul.f32 v7, v2  }
0x79: {  	[tilespmem:v8+s20+$0x0] =	vst.idx.add.f32.msk $0xffff, v1  }
0x7a: {  	v11 =	vtrunc.f32 v11;
	v7 =	vadd.f32 v7, v3;
	v8 =	vld [tilespmem:s17+$0x10]  }
0x7b: {  	v11 =	vcvt.f32.s32 v11;
	v10 =	vmul.f32 v10, v2  }
0x7c: {  	v7 =	vtrunc.f32 v7  }
0x7d: {  	v7 =	vcvt.f32.s32 v7;
	v10 =	vadd.f32 v10, v3;
	_ =	sdelay $0x1  }
0x7e: {  	v10 =	vtrunc.f32 v10;
	v8 =	vmul.f32 v8, v2  }
0x7f: {  	v12 =	vld [tilespmem:s1+$0x20];
	v10 =	vcvt.f32.s32 v10  }
0x80: {  	[tilespmem:v11+s21+$0x0] =	vst.idx.add.f32.msk $0xffff, v1;
	v8 =	vadd.f32 v8, v3  }
0x81: {  	v11 =	vld [tilespmem:s3+$0x20]  }
0x82: {  	[tilespmem:v7+s21+$0x0] =	vst.idx.add.f32.msk $0xffff, v1;
	v8 =	vtrunc.f32 v8  }
0x83: {  	v7 =	vld [tilespmem:s14+$0x20];
	v8 =	vcvt.f32.s32 v8  }
0x84: {  	v12 =	vmul.f32 v12, v2  }
0x85: {  	[tilespmem:v10+s21+$0x0] =	vst.idx.add.f32.msk $0xffff, v1  }
0x86: {  	v12 =	vadd.f32 v12, v3;
	v10 =	vld [tilespmem:s15+$0x20]  }
0x87: {  	v9 =	vadd.f32 v9, v3;
	v11 =	vmul.f32 v11, v2  }
0x88: {  	v12 =	vtrunc.f32 v12;
	v7 =	vmul.f32 v7, v2  }
0x89: {  	v9 =	vtrunc.f32 v9;
	v12 =	vcvt.f32.s32 v12;
	v11 =	vadd.f32 v11, v3;
	[tilespmem:v8+s21+$0x0] =	vst.idx.add.f32.msk $0xffff, v1  }
0x8a: {  	v7 =	vadd.f32 v7, v3;
	v8 =	vcvt.f32.s32 v9;
	v9 =	vld [tilespmem:s17+$0x20]  }
0x8b: {  	v11 =	vtrunc.f32 v11;
	v10 =	vmul.f32 v10, v2  }
0x8c: {  	[tilespmem:v6+s22+$0x0] =	vst.idx.add.f32.msk $0xffff, v1;
	v6 =	vcvt.f32.s32 v11;
	v7 =	vtrunc.f32 v7  }
0x8d: {  	v7 =	vcvt.f32.s32 v7;
	v10 =	vadd.f32 v10, v3;
	_ =	sdelay $0x1  }
0x8e: {  	[tilespmem:v12+s22+$0x0] =	vst.idx.add.f32.msk $0xffff, v1;
	v10 =	vtrunc.f32 v10;
	v9 =	vmul.f32 v9, v2  }
0x8f: {  	v12 =	vld [tilespmem:s1+$0x30];
	v10 =	vcvt.f32.s32 v10  }
0x90: {  	v11 =	vld [tilespmem:s31+$0x30];
	v9 =	vadd.f32 v9, v3  }
0x91: {  	[tilespmem:v6+s22+$0x0] =	vst.idx.add.f32.msk $0xffff, v1  }
0x92: {  	[tilespmem:v7+s22+$0x0] =	vst.idx.add.f32.msk $0xffff, v1;
	v9 =	vtrunc.f32 v9  }
0x93: {  	v7 =	vld [tilespmem:s14+$0x30];
	v6 =	vcvt.f32.s32 v9  }
0x94: {  	[tilespmem:v8+s22+$0x0] =	vst.idx.add.f32.msk $0xffff, v1  }
0x95: {  	v5 =	vmul.f32 v5, v2;
	[tilespmem:v10+s22+$0x0] =	vst.idx.add.f32.msk $0xffff, v1  }
0x96: {  	v8 =	vld [tilespmem:s0+$0x30]  }
0x97: {  	v5 =	vadd.f32 v5, v3;
	v12 =	vmul.f32 v12, v2;
	v10 =	vld [tilespmem:s15+$0x30]  }
0x98: {  	v11 =	vmul.f32 v11, v2;
	v9 =	vld [tilespmem:s3+$0x30]  }
0x99: {  	v5 =	vtrunc.f32 v5;
	v12 =	vadd.f32 v12, v3;
	[tilespmem:v6+s22+$0x0] =	vst.idx.add.f32.msk $0xffff, v1  }
0x9a: {  	v5 =	vcvt.f32.s32 v5;
	v11 =	vadd.f32 v11, v3;
	v6 =	vld [tilespmem:s17+$0x30]  }
0x9b: {  	v12 =	vtrunc.f32 v12;
	v7 =	vmul.f32 v7, v2  }
0x9c: {  	v11 =	vtrunc.f32 v11;
	v8 =	vmul.f32 v8, v2  }
0x9d: {  	v12 =	vcvt.f32.s32 v12;
	v7 =	vadd.f32 v7, v3;
	v10 =	vmul.f32 v10, v2  }
0x9e: {  	v11 =	vcvt.f32.s32 v11;
	v8 =	vadd.f32 v8, v3;
	v9 =	vmul.f32 v9, v2  }
0x9f: {  	v7 =	vtrunc.f32 v7;
	v10 =	vadd.f32 v10, v3;
	v6 =	vmul.f32 v6, v2  }
0xa0: {  	[tilespmem:v4+s23+$0x0] =	vst.idx.add.f32.msk $0xffff, v1;
	v4 =	vcvt.f32.s32 v7;
	v8 =	vtrunc.f32 v8;
	v9 =	vadd.f32 v9, v3  }
0xa1: {  	v7 =	vtrunc.f32 v10;
	v8 =	vcvt.f32.s32 v8;
	v6 =	vadd.f32 v6, v3  }
0xa2: {  	[tilespmem:v5+s23+$0x0] =	vst.idx.add.f32.msk $0xffff, v1;
	v5 =	vcvt.f32.s32 v7;
	v9 =	vtrunc.f32 v9  }
0xa3: {  	v9 =	vcvt.f32.s32 v9;
	v6 =	vtrunc.f32 v6  }
0xa4: {  	[tilespmem:v12+s23+$0x0] =	vst.idx.add.f32.msk $0xffff, v1;
	v6 =	vcvt.f32.s32 v6  }
0xa5: {  	p0 =	seq.s32 s30, $0x1F;
	s31 =	sshll.u32 s30, $0x2;
	[tilespmem:v11+s23+$0x0] =	vst.idx.add.f32.msk $0xffff, v1  }
0xa6: {  	s0 =	sadd.s32 @!p0 $0x4, s31;
	[tilespmem:v4+s23+$0x0] =	vst.idx.add.f32.msk $0xffff, v1  }
0xa7: {  	s1 =	sadd.s32 @!p0 s6, s0;
	s0 =	sshll.u32 @!p0 s0, $0x4;
	[tilespmem:v8+s23+$0x0] =	vst.idx.add.f32.msk $0xffff, v1  }
0xa8: {  	s1 =	sshll.u32 @!p0 s1, $0x9;
	s0 =	sand.u32 @!p0 $0x40, s0;
	[tilespmem:v5+s23+$0x0] =	vst.idx.add.f32.msk $0xffff, v1  }
0xa9: {  	s7 =	simm.s32 @!p0 $0x0;
	s1 =	sand.u32 @!p0 $0xFFFF000, s1;
	s0 =	sadd.s32 @!p0 s2, s0;
	[tilespmem:v9+s23+$0x0] =	vst.idx.add.f32.msk $0xffff, v1  }
0xaa: {  	s0 =	sadd.s32 @!p0 s1, s0;
	s1 =	simm.s32 @!p0 $0x80;
	s3 =	simm.s32 @!p0 $0x400;
	[tilespmem:v6+s23+$0x0] =	vst.idx.add.f32.msk $0xffff, v1  }
0xab: {  	[tilespmem:s7], [sflag:$0x1] =	stream.strided.gather @!p0 [hbm4b:s0+s1], $0x1000, s3, s1, $0x38;
	[tilespmem:$0x6880] =	vst v63  }
0xac: {  	_ =	swait.ge [sflag:s24], $0x1000  }
0xad: {  	[sflag:s24] =	ssyncset.done $0x0  }
0xae: {  	s8 =	simm.s32 $0x0;
	[sflag:s24] =	ssyncadd.s32 $0xFFFFF000  }
0xaf: {  	v4 =	vld [tilespmem:s8+$0x1000];
	_ =	sdelay $0x4  }
0xb0: {  	v4 =	vmul.f32 v4, v2;
	_ =	sdelay $0x1  }
0xb1: {  	s28 =	simm.s32 $0x40;
	v4 =	vadd.f32 v4, v3  }
0xb2: {  	v5 =	vld [tilespmem:s28+$0x1000]  }
0xb3: {  	v4 =	vtrunc.f32 v4  }
0xb4: {  	v4 =	vcvt.f32.s32 v4;
	_ =	sdelay $0x2  }
0xb5: {  	v5 =	vmul.f32 v5, v2  }
0xb6: {  	s0 =	simm.s32 $0x80  }
0xb7: {  	v6 =	vld [tilespmem:s0+$0x1000];
	v5 =	vadd.f32 v5, v3  }
0xb8: {  	[tilespmem:v4+s20+$0x0] =	vst.idx.add.f32.msk $0xffff, v1  }
0xb9: {  	v4 =	vtrunc.f32 v5;
	v5 =	vld [tilespmem:s8+$0x1010]  }
0xba: {  	v4 =	vcvt.f32.s32 v4;
	_ =	sdelay $0x1  }
0xbb: {  	v6 =	vmul.f32 v6, v2;
	_ =	sdelay $0x1  }
0xbc: {  	s1 =	simm.s32 $0xC0;
	v6 =	vadd.f32 v6, v3;
	v5 =	vmul.f32 v5, v2  }
0xbd: {  	v7 =	vld [tilespmem:s1+$0x1000]  }
0xbe: {  	[tilespmem:v4+s20+$0x0] =	vst.idx.add.f32.msk $0xffff, v1;
	v4 =	vtrunc.f32 v6;
	v5 =	vadd.f32 v5, v3  }
0xbf: {  	v6 =	vld [tilespmem:s28+$0x1010];
	v4 =	vcvt.f32.s32 v4  }
0xc0: {  	v5 =	vtrunc.f32 v5  }
0xc1: {  	v5 =	vcvt.f32.s32 v5  }
0xc2: {  	v7 =	vmul.f32 v7, v2  }
0xc3: {  	s3 =	simm.s32 $0x100  }
0xc4: {  	v8 =	vld [tilespmem:s3+$0x1000];
	v7 =	vadd.f32 v7, v3;
	v6 =	vmul.f32 v6, v2  }
0xc5: {  	[tilespmem:v4+s20+$0x0] =	vst.idx.add.f32.msk $0xffff, v1  }
0xc6: {  	v4 =	vtrunc.f32 v7;
	v6 =	vadd.f32 v6, v3;
	v7 =	vld [tilespmem:s0+$0x1010]  }
0xc7: {  	v4 =	vcvt.f32.s32 v4;
	[tilespmem:v5+s21+$0x0] =	vst.idx.add.f32.msk $0xffff, v1  }
0xc8: {  	v5 =	vtrunc.f32 v6;
	v6 =	vld [tilespmem:s8+$0x1020]  }
0xc9: {  	v8 =	vmul.f32 v8, v2;
	v5 =	vcvt.f32.s32 v5  }
0xca: {  	s14 =	simm.s32 $0x140  }
0xcb: {  	v9 =	vld [tilespmem:s14+$0x1000];
	v8 =	vadd.f32 v8, v3;
	v7 =	vmul.f32 v7, v2;
	_ =	sdelay $0x1  }
0xcc: {  	[tilespmem:v4+s20+$0x0] =	vst.idx.add.f32.msk $0xffff, v1;
	v4 =	vtrunc.f32 v8;
	v7 =	vadd.f32 v7, v3;
	v6 =	vmul.f32 v6, v2  }
0xcd: {  	v8 =	vld [tilespmem:s1+$0x1010];
	v4 =	vcvt.f32.s32 v4  }
0xce: {  	[tilespmem:v5+s21+$0x0] =	vst.idx.add.f32.msk $0xffff, v1;
	v5 =	vtrunc.f32 v7;
	v6 =	vadd.f32 v6, v3  }
0xcf: {  	v9 =	vmul.f32 v9, v2;
	v7 =	vld [tilespmem:s28+$0x1020];
	v5 =	vcvt.f32.s32 v5  }
0xd0: {  	s15 =	simm.s32 $0x180;
	v6 =	vtrunc.f32 v6  }
0xd1: {  	v10 =	vld [tilespmem:s15+$0x1000];
	v9 =	vadd.f32 v9, v3;
	v6 =	vcvt.f32.s32 v6  }
0xd2: {  	v8 =	vmul.f32 v8, v2  }
0xd3: {  	[tilespmem:v4+s20+$0x0] =	vst.idx.add.f32.msk $0xffff, v1;
	v4 =	vtrunc.f32 v9  }
0xd4: {  	v9 =	vld [tilespmem:s3+$0x1010];
	v8 =	vadd.f32 v8, v3;
	v4 =	vcvt.f32.s32 v4;
	v7 =	vmul.f32 v7, v2  }
0xd5: {  	[tilespmem:v5+s21+$0x0] =	vst.idx.add.f32.msk $0xffff, v1  }
0xd6: {  	v10 =	vmul.f32 v10, v2;
	v5 =	vtrunc.f32 v8;
	v7 =	vadd.f32 v7, v3;
	v8 =	vld [tilespmem:s0+$0x1020]  }
0xd7: {  	v5 =	vcvt.f32.s32 v5;
	[tilespmem:v6+s22+$0x0] =	vst.idx.add.f32.msk $0xffff, v1  }
0xd8: {  	s17 =	simm.s32 $0x1C0;
	v10 =	vadd.f32 v10, v3;
	v6 =	vtrunc.f32 v7;
	v7 =	vld [tilespmem:s8+$0x1030]  }
0xd9: {  	v11 =	vld [tilespmem:s17+$0x1000];
	v9 =	vmul.f32 v9, v2;
	v6 =	vcvt.f32.s32 v6  }
0xda: {  	[tilespmem:v4+s20+$0x0] =	vst.idx.add.f32.msk $0xffff, v1;
	v4 =	vtrunc.f32 v10  }
0xdb: {  	v9 =	vadd.f32 v9, v3;
	v4 =	vcvt.f32.s32 v4;
	v8 =	vmul.f32 v8, v2  }
0xdc: {  	v10 =	vld [tilespmem:s14+$0x1010]  }
0xdd: {  	[tilespmem:v5+s21+$0x0] =	vst.idx.add.f32.msk $0xffff, v1;
	v5 =	vtrunc.f32 v9;
	v8 =	vadd.f32 v8, v3;
	v7 =	vmul.f32 v7, v2  }
0xde: {  	v9 =	vld [tilespmem:s1+$0x1020];
	v63 =	vcvt.f32.s32 v5  }
0xdf: {  	v11 =	vmul.f32 v11, v2;
	[tilespmem:v6+s22+$0x0] =	vst.idx.add.f32.msk $0xffff, v1;
	v6 =	vtrunc.f32 v8;
	v7 =	vadd.f32 v7, v3  }
0xe0: {  	v5 =	vld [tilespmem:s28+$0x1030];
	v6 =	vcvt.f32.s32 v6  }
0xe1: {  	v11 =	vadd.f32 v11, v3;
	v10 =	vmul.f32 v10, v2;
	s28 =	simm.s32 $0x200;
	[tilespmem:v4+s20+$0x0] =	vst.idx.add.f32.msk $0xffff, v1;
	v7 =	vtrunc.f32 v7  }
0xe2: {  	v8 =	vld [tilespmem:s28+$0x1000];
	v4 =	vcvt.f32.s32 v7  }
0xe3: {  	v13 =	vtrunc.f32 v11;
	v11 =	vadd.f32 v10, v3;
	v9 =	vmul.f32 v9, v2;
	v7 =	vld [tilespmem:s15+$0x1010]  }
0xe4: {  	s7 =	simm.s32 $0x900;
	v10 =	vcvt.f32.s32 v13;
	[tilespmem:v63+s21+$0x0] =	vst.idx.add.f32.msk $0xffff, v1  }
.LBB2_7:
0xe5: {  	p1 =	sne.s32 s7, $0x3F00;
	v11 =	vtrunc.f32 v11;
	v12 =	vld [tilespmem:s3+$0x1020];
	v9 =	vadd.f32 v9, v3;
	v13 =	vmul.f32 v5, v2  }
0xe6: {  	v14 =	vcvt.f32.s32 v11;
	[tilespmem:v6+s22+$0x0] =	vst.idx.add.f32.msk $0xffff, v1  }
0xe7: {  	v11 =	vmul.f32 v8, v2;
	v6 =	vtrunc.f32 v9;
	v5 =	vld [tilespmem:s0+$0x1030];
	v9 =	vadd.f32 v13, v3;
	s0 =	smov.u32 s1;
	s1 =	smov.u32 s3;
	s3 =	smov.u32 s14  }
.Ltmp2:
0xe8: {  	s8 =	sshra.s32 s7, $0x2;
	s14 =	smov.u32 s15;
	v6 =	vcvt.f32.s32 v6;
	[tilespmem:v4+s23+$0x0] =	vst.idx.add.f32.msk $0xffff, v1;
	(pc) =	sbr.rel @p1 .LBB2_7-.Ltmp2, $4  }
0xe9: {  	s15 =	smov.u32 s17;
	s17 =	smov.u32 s28;
	s28 =	smov.u32 s8;
	v11 =	vadd.f32 v11, v3;
	v13 =	vmul.f32 v7, v2;
	v8 =	vld [tilespmem:s8+$0x1000];
	v4 =	vtrunc.f32 v9  }
0xea: {  	[tilespmem:v10+s20+$0x0] =	vst.idx.add.f32.msk $0xffff, v1;
	v4 =	vcvt.f32.s32 v4  }
0xeb: {  	v10 =	vtrunc.f32 v11;
	v11 =	vadd.f32 v13, v3;
	v9 =	vmul.f32 v12, v2;
	v7 =	vld [tilespmem:s15+$0x1010]  }
0xec: {  	s7 =	sadd.s32 $0x100, s7;
	v10 =	vcvt.f32.s32 v10;
	[tilespmem:v14+s21+$0x0] =	vst.idx.add.f32.msk $0xffff, v1  }
0xed: {  	_ = 	snop  }
0xee: {  	v8 =	vmul.f32 v8, v2;
	_ =	sdelay $0x1  }
0xef: {  	v8 =	vadd.f32 v8, v3;
	_ =	sdelay $0x1  }
0xf0: {  	v8 =	vtrunc.f32 v8  }
0xf1: {  	v8 =	vcvt.f32.s32 v8;
	_ =	sdelay $0x1  }
0xf2: {  	[tilespmem:v10+s20+$0x0] =	vst.idx.add.f32.msk $0xffff, v1  }
0xf3: {  	v10 =	vld [tilespmem:s17+$0x1010];
	_ =	sdelay $0x1  }
0xf4: {  	v7 =	vmul.f32 v7, v2  }
0xf5: {  	[tilespmem:v8+s20+$0x0] =	vst.idx.add.f32.msk $0xffff, v1  }
0xf6: {  	v11 =	vtrunc.f32 v11;
	v7 =	vadd.f32 v7, v3;
	v8 =	vld [tilespmem:s28+$0x1010]  }
0xf7: {  	v11 =	vcvt.f32.s32 v11;
	v10 =	vmul.f32 v10, v2  }
0xf8: {  	v7 =	vtrunc.f32 v7  }
0xf9: {  	v7 =	vcvt.f32.s32 v7;
	v10 =	vadd.f32 v10, v3;
	_ =	sdelay $0x1  }
0xfa: {  	v10 =	vtrunc.f32 v10;
	v8 =	vmul.f32 v8, v2  }
0xfb: {  	v12 =	vld [tilespmem:s3+$0x1020];
	v10 =	vcvt.f32.s32 v10  }
0xfc: {  	[tilespmem:v11+s21+$0x0] =	vst.idx.add.f32.msk $0xffff, v1;
	v8 =	vadd.f32 v8, v3  }
0xfd: {  	v11 =	vld [tilespmem:s14+$0x1020]  }
0xfe: {  	[tilespmem:v7+s21+$0x0] =	vst.idx.add.f32.msk $0xffff, v1;
	v8 =	vtrunc.f32 v8  }
0xff: {  	v7 =	vld [tilespmem:s15+$0x1020];
	v8 =	vcvt.f32.s32 v8  }
0x100: {  	v12 =	vmul.f32 v12, v2  }
0x101: {  	[tilespmem:v10+s21+$0x0] =	vst.idx.add.f32.msk $0xffff, v1  }
0x102: {  	v12 =	vadd.f32 v12, v3;
	v10 =	vld [tilespmem:s17+$0x1020]  }
0x103: {  	v9 =	vadd.f32 v9, v3;
	v11 =	vmul.f32 v11, v2  }
0x104: {  	v12 =	vtrunc.f32 v12;
	v7 =	vmul.f32 v7, v2  }
0x105: {  	v9 =	vtrunc.f32 v9;
	v12 =	vcvt.f32.s32 v12;
	v11 =	vadd.f32 v11, v3;
	[tilespmem:v8+s21+$0x0] =	vst.idx.add.f32.msk $0xffff, v1  }
0x106: {  	v7 =	vadd.f32 v7, v3;
	v8 =	vcvt.f32.s32 v9;
	v9 =	vld [tilespmem:s28+$0x1020]  }
0x107: {  	v11 =	vtrunc.f32 v11;
	v10 =	vmul.f32 v10, v2  }
0x108: {  	[tilespmem:v6+s22+$0x0] =	vst.idx.add.f32.msk $0xffff, v1;
	v6 =	vcvt.f32.s32 v11;
	v7 =	vtrunc.f32 v7  }
0x109: {  	v7 =	vcvt.f32.s32 v7;
	v10 =	vadd.f32 v10, v3;
	_ =	sdelay $0x1  }
0x10a: {  	[tilespmem:v12+s22+$0x0] =	vst.idx.add.f32.msk $0xffff, v1;
	v10 =	vtrunc.f32 v10;
	v9 =	vmul.f32 v9, v2  }
0x10b: {  	v12 =	vld [tilespmem:s3+$0x1030];
	v10 =	vcvt.f32.s32 v10  }
0x10c: {  	v11 =	vld [tilespmem:s0+$0x1030];
	v9 =	vadd.f32 v9, v3  }
0x10d: {  	[tilespmem:v6+s22+$0x0] =	vst.idx.add.f32.msk $0xffff, v1  }
0x10e: {  	[tilespmem:v7+s22+$0x0] =	vst.idx.add.f32.msk $0xffff, v1;
	v9 =	vtrunc.f32 v9  }
0x10f: {  	v7 =	vld [tilespmem:s15+$0x1030];
	v6 =	vcvt.f32.s32 v9  }
0x110: {  	[tilespmem:v8+s22+$0x0] =	vst.idx.add.f32.msk $0xffff, v1  }
0x111: {  	v5 =	vmul.f32 v5, v2;
	[tilespmem:v10+s22+$0x0] =	vst.idx.add.f32.msk $0xffff, v1  }
0x112: {  	v8 =	vld [tilespmem:s1+$0x1030]  }
0x113: {  	v5 =	vadd.f32 v5, v3;
	v12 =	vmul.f32 v12, v2;
	v10 =	vld [tilespmem:s17+$0x1030]  }
0x114: {  	v11 =	vmul.f32 v11, v2;
	v9 =	vld [tilespmem:s14+$0x1030]  }
0x115: {  	v5 =	vtrunc.f32 v5;
	v12 =	vadd.f32 v12, v3;
	[tilespmem:v6+s22+$0x0] =	vst.idx.add.f32.msk $0xffff, v1  }
0x116: {  	v5 =	vcvt.f32.s32 v5;
	v11 =	vadd.f32 v11, v3;
	v6 =	vld [tilespmem:s28+$0x1030]  }
0x117: {  	v12 =	vtrunc.f32 v12;
	v7 =	vmul.f32 v7, v2  }
0x118: {  	v11 =	vtrunc.f32 v11;
	v8 =	vmul.f32 v8, v2  }
0x119: {  	v12 =	vcvt.f32.s32 v12;
	v7 =	vadd.f32 v7, v3;
	v10 =	vmul.f32 v10, v2  }
0x11a: {  	v11 =	vcvt.f32.s32 v11;
	v8 =	vadd.f32 v8, v3;
	v9 =	vmul.f32 v9, v2  }
0x11b: {  	v7 =	vtrunc.f32 v7;
	v10 =	vadd.f32 v10, v3;
	v6 =	vmul.f32 v6, v2  }
0x11c: {  	[tilespmem:v4+s23+$0x0] =	vst.idx.add.f32.msk $0xffff, v1;
	v4 =	vcvt.f32.s32 v7;
	v8 =	vtrunc.f32 v8;
	v9 =	vadd.f32 v9, v3  }
0x11d: {  	v7 =	vtrunc.f32 v10;
	v8 =	vcvt.f32.s32 v8;
	v6 =	vadd.f32 v6, v3  }
0x11e: {  	[tilespmem:v5+s23+$0x0] =	vst.idx.add.f32.msk $0xffff, v1;
	v5 =	vcvt.f32.s32 v7;
	v9 =	vtrunc.f32 v9  }
0x11f: {  	v9 =	vcvt.f32.s32 v9;
	v6 =	vtrunc.f32 v6  }
0x120: {  	[tilespmem:v12+s23+$0x0] =	vst.idx.add.f32.msk $0xffff, v1;
	v6 =	vcvt.f32.s32 v6  }
0x121: {  	[tilespmem:v11+s23+$0x0] =	vst.idx.add.f32.msk $0xffff, v1  }
0x122: {  	s0 =	sadd.s32 @!p0 $0x5, s31;
	[tilespmem:v4+s23+$0x0] =	vst.idx.add.f32.msk $0xffff, v1  }
0x123: {  	s1 =	sadd.s32 @!p0 s6, s0;
	s0 =	sshll.u32 @!p0 s0, $0x4;
	[tilespmem:v8+s23+$0x0] =	vst.idx.add.f32.msk $0xffff, v1  }
0x124: {  	s1 =	sshll.u32 @!p0 s1, $0x9;
	s0 =	sand.u32 @!p0 $0x50, s0;
	[tilespmem:v5+s23+$0x0] =	vst.idx.add.f32.msk $0xffff, v1  }
0x125: {  	s7 =	simm.s32 @!p0 $0x1000;
	s1 =	sand.u32 @!p0 $0xFFFF000, s1;
	s0 =	sadd.s32 @!p0 s2, s0;
	[tilespmem:v9+s23+$0x0] =	vst.idx.add.f32.msk $0xffff, v1  }
0x126: {  	s3 =	simm.s32 @!p0 $0x400;
	s0 =	sadd.s32 @!p0 s1, s0;
	s1 =	simm.s32 @!p0 $0x80;
	[tilespmem:v6+s23+$0x0] =	vst.idx.add.f32.msk $0xffff, v1  }
0x127: {  	[tilespmem:s7], [sflag:$0x2] =	stream.strided.gather @!p0 [hbm4b:s0+s1], $0x1000, s3, s1, $0x38;
	[tilespmem:$0x6880] =	vst v63  }
0x128: {  	_ =	swait.ge [sflag:s25], $0x1000  }
0x129: {  	[sflag:s25] =	ssyncset.done $0x0  }
0x12a: {  	s8 =	simm.s32 $0x0;
	[sflag:s25] =	ssyncadd.s32 $0xFFFFF000  }
0x12b: {  	v4 =	vld [tilespmem:s8+$0x2000];
	_ =	sdelay $0x4  }
0x12c: {  	v4 =	vmul.f32 v4, v2;
	_ =	sdelay $0x1  }
0x12d: {  	s28 =	simm.s32 $0x40;
	v4 =	vadd.f32 v4, v3  }
0x12e: {  	v5 =	vld [tilespmem:s28+$0x2000]  }
0x12f: {  	v4 =	vtrunc.f32 v4  }
0x130: {  	v4 =	vcvt.f32.s32 v4;
	_ =	sdelay $0x2  }
0x131: {  	v5 =	vmul.f32 v5, v2  }
0x132: {  	s0 =	simm.s32 $0x80  }
0x133: {  	v6 =	vld [tilespmem:s0+$0x2000];
	v5 =	vadd.f32 v5, v3  }
0x134: {  	[tilespmem:v4+s20+$0x0] =	vst.idx.add.f32.msk $0xffff, v1  }
0x135: {  	v4 =	vtrunc.f32 v5;
	v5 =	vld [tilespmem:s8+$0x2010]  }
0x136: {  	v4 =	vcvt.f32.s32 v4;
	_ =	sdelay $0x1  }
0x137: {  	v6 =	vmul.f32 v6, v2;
	_ =	sdelay $0x1  }
0x138: {  	s1 =	simm.s32 $0xC0;
	v6 =	vadd.f32 v6, v3;
	v5 =	vmul.f32 v5, v2  }
0x139: {  	v7 =	vld [tilespmem:s1+$0x2000]  }
0x13a: {  	[tilespmem:v4+s20+$0x0] =	vst.idx.add.f32.msk $0xffff, v1;
	v4 =	vtrunc.f32 v6;
	v5 =	vadd.f32 v5, v3  }
0x13b: {  	v6 =	vld [tilespmem:s28+$0x2010];
	v4 =	vcvt.f32.s32 v4  }
0x13c: {  	v5 =	vtrunc.f32 v5  }
0x13d: {  	v5 =	vcvt.f32.s32 v5  }
0x13e: {  	v7 =	vmul.f32 v7, v2  }
0x13f: {  	s3 =	simm.s32 $0x100  }
0x140: {  	v8 =	vld [tilespmem:s3+$0x2000];
	v7 =	vadd.f32 v7, v3;
	v6 =	vmul.f32 v6, v2  }
0x141: {  	[tilespmem:v4+s20+$0x0] =	vst.idx.add.f32.msk $0xffff, v1  }
0x142: {  	v4 =	vtrunc.f32 v7;
	v6 =	vadd.f32 v6, v3;
	v7 =	vld [tilespmem:s0+$0x2010]  }
0x143: {  	v4 =	vcvt.f32.s32 v4;
	[tilespmem:v5+s21+$0x0] =	vst.idx.add.f32.msk $0xffff, v1  }
0x144: {  	v5 =	vtrunc.f32 v6;
	v6 =	vld [tilespmem:s8+$0x2020]  }
0x145: {  	v8 =	vmul.f32 v8, v2;
	v5 =	vcvt.f32.s32 v5  }
0x146: {  	s14 =	simm.s32 $0x140  }
0x147: {  	v9 =	vld [tilespmem:s14+$0x2000];
	v8 =	vadd.f32 v8, v3;
	v7 =	vmul.f32 v7, v2;
	_ =	sdelay $0x1  }
0x148: {  	[tilespmem:v4+s20+$0x0] =	vst.idx.add.f32.msk $0xffff, v1;
	v4 =	vtrunc.f32 v8;
	v7 =	vadd.f32 v7, v3;
	v6 =	vmul.f32 v6, v2  }
0x149: {  	v8 =	vld [tilespmem:s1+$0x2010];
	v4 =	vcvt.f32.s32 v4  }
0x14a: {  	[tilespmem:v5+s21+$0x0] =	vst.idx.add.f32.msk $0xffff, v1;
	v5 =	vtrunc.f32 v7;
	v6 =	vadd.f32 v6, v3  }
0x14b: {  	v9 =	vmul.f32 v9, v2;
	v7 =	vld [tilespmem:s28+$0x2020];
	v5 =	vcvt.f32.s32 v5  }
0x14c: {  	s15 =	simm.s32 $0x180;
	v6 =	vtrunc.f32 v6  }
0x14d: {  	v10 =	vld [tilespmem:s15+$0x2000];
	v9 =	vadd.f32 v9, v3;
	v6 =	vcvt.f32.s32 v6  }
0x14e: {  	v8 =	vmul.f32 v8, v2  }
0x14f: {  	[tilespmem:v4+s20+$0x0] =	vst.idx.add.f32.msk $0xffff, v1;
	v4 =	vtrunc.f32 v9  }
0x150: {  	v9 =	vld [tilespmem:s3+$0x2010];
	v8 =	vadd.f32 v8, v3;
	v4 =	vcvt.f32.s32 v4;
	v7 =	vmul.f32 v7, v2  }
0x151: {  	[tilespmem:v5+s21+$0x0] =	vst.idx.add.f32.msk $0xffff, v1  }
0x152: {  	v10 =	vmul.f32 v10, v2;
	v5 =	vtrunc.f32 v8;
	v7 =	vadd.f32 v7, v3;
	v8 =	vld [tilespmem:s0+$0x2020]  }
0x153: {  	v5 =	vcvt.f32.s32 v5;
	[tilespmem:v6+s22+$0x0] =	vst.idx.add.f32.msk $0xffff, v1  }
0x154: {  	s17 =	simm.s32 $0x1C0;
	v10 =	vadd.f32 v10, v3;
	v6 =	vtrunc.f32 v7;
	v7 =	vld [tilespmem:s8+$0x2030]  }
0x155: {  	v11 =	vld [tilespmem:s17+$0x2000];
	v9 =	vmul.f32 v9, v2;
	v6 =	vcvt.f32.s32 v6  }
0x156: {  	[tilespmem:v4+s20+$0x0] =	vst.idx.add.f32.msk $0xffff, v1;
	v4 =	vtrunc.f32 v10  }
0x157: {  	v9 =	vadd.f32 v9, v3;
	v4 =	vcvt.f32.s32 v4;
	v8 =	vmul.f32 v8, v2  }
0x158: {  	v10 =	vld [tilespmem:s14+$0x2010]  }
0x159: {  	[tilespmem:v5+s21+$0x0] =	vst.idx.add.f32.msk $0xffff, v1;
	v5 =	vtrunc.f32 v9;
	v8 =	vadd.f32 v8, v3;
	v7 =	vmul.f32 v7, v2  }
0x15a: {  	v9 =	vld [tilespmem:s1+$0x2020];
	v63 =	vcvt.f32.s32 v5  }
0x15b: {  	v11 =	vmul.f32 v11, v2;
	[tilespmem:v6+s22+$0x0] =	vst.idx.add.f32.msk $0xffff, v1;
	v6 =	vtrunc.f32 v8;
	v7 =	vadd.f32 v7, v3  }
0x15c: {  	v5 =	vld [tilespmem:s28+$0x2030];
	v6 =	vcvt.f32.s32 v6  }
0x15d: {  	v11 =	vadd.f32 v11, v3;
	v10 =	vmul.f32 v10, v2;
	s28 =	simm.s32 $0x200;
	[tilespmem:v4+s20+$0x0] =	vst.idx.add.f32.msk $0xffff, v1;
	v7 =	vtrunc.f32 v7  }
0x15e: {  	v8 =	vld [tilespmem:s28+$0x2000];
	v4 =	vcvt.f32.s32 v7  }
0x15f: {  	v13 =	vtrunc.f32 v11;
	v11 =	vadd.f32 v10, v3;
	v9 =	vmul.f32 v9, v2;
	v7 =	vld [tilespmem:s15+$0x2010]  }
0x160: {  	s7 =	simm.s32 $0x900;
	v10 =	vcvt.f32.s32 v13;
	[tilespmem:v63+s21+$0x0] =	vst.idx.add.f32.msk $0xffff, v1  }
.LBB2_9:
0x161: {  	p1 =	sne.s32 s7, $0x3F00;
	v11 =	vtrunc.f32 v11;
	v12 =	vld [tilespmem:s3+$0x2020];
	v9 =	vadd.f32 v9, v3;
	v13 =	vmul.f32 v5, v2  }
0x162: {  	v14 =	vcvt.f32.s32 v11;
	[tilespmem:v6+s22+$0x0] =	vst.idx.add.f32.msk $0xffff, v1  }
0x163: {  	v11 =	vmul.f32 v8, v2;
	v6 =	vtrunc.f32 v9;
	v5 =	vld [tilespmem:s0+$0x2030];
	v9 =	vadd.f32 v13, v3;
	s0 =	smov.u32 s1;
	s1 =	smov.u32 s3;
	s3 =	smov.u32 s14  }
.Ltmp3:
0x164: {  	s8 =	sshra.s32 s7, $0x2;
	s14 =	smov.u32 s15;
	v6 =	vcvt.f32.s32 v6;
	[tilespmem:v4+s23+$0x0] =	vst.idx.add.f32.msk $0xffff, v1;
	(pc) =	sbr.rel @p1 .LBB2_9-.Ltmp3, $4  }
0x165: {  	s15 =	smov.u32 s17;
	s17 =	smov.u32 s28;
	s28 =	smov.u32 s8;
	v11 =	vadd.f32 v11, v3;
	v13 =	vmul.f32 v7, v2;
	v8 =	vld [tilespmem:s8+$0x2000];
	v4 =	vtrunc.f32 v9  }
0x166: {  	[tilespmem:v10+s20+$0x0] =	vst.idx.add.f32.msk $0xffff, v1;
	v4 =	vcvt.f32.s32 v4  }
0x167: {  	v10 =	vtrunc.f32 v11;
	v11 =	vadd.f32 v13, v3;
	v9 =	vmul.f32 v12, v2;
	v7 =	vld [tilespmem:s15+$0x2010]  }
0x168: {  	s7 =	sadd.s32 $0x100, s7;
	v10 =	vcvt.f32.s32 v10;
	[tilespmem:v14+s21+$0x0] =	vst.idx.add.f32.msk $0xffff, v1  }
0x169: {  	_ = 	snop  }
0x16a: {  	v8 =	vmul.f32 v8, v2;
	_ =	sdelay $0x1  }
0x16b: {  	v8 =	vadd.f32 v8, v3;
	_ =	sdelay $0x1  }
0x16c: {  	v8 =	vtrunc.f32 v8  }
0x16d: {  	v8 =	vcvt.f32.s32 v8;
	_ =	sdelay $0x1  }
0x16e: {  	[tilespmem:v10+s20+$0x0] =	vst.idx.add.f32.msk $0xffff, v1  }
0x16f: {  	v10 =	vld [tilespmem:s17+$0x2010];
	_ =	sdelay $0x1  }
0x170: {  	v7 =	vmul.f32 v7, v2  }
0x171: {  	[tilespmem:v8+s20+$0x0] =	vst.idx.add.f32.msk $0xffff, v1  }
0x172: {  	v11 =	vtrunc.f32 v11;
	v7 =	vadd.f32 v7, v3;
	v8 =	vld [tilespmem:s28+$0x2010]  }
0x173: {  	v11 =	vcvt.f32.s32 v11;
	v10 =	vmul.f32 v10, v2  }
0x174: {  	v7 =	vtrunc.f32 v7  }
0x175: {  	v7 =	vcvt.f32.s32 v7;
	v10 =	vadd.f32 v10, v3;
	_ =	sdelay $0x1  }
0x176: {  	v10 =	vtrunc.f32 v10;
	v8 =	vmul.f32 v8, v2  }
0x177: {  	v12 =	vld [tilespmem:s3+$0x2020];
	v10 =	vcvt.f32.s32 v10  }
0x178: {  	[tilespmem:v11+s21+$0x0] =	vst.idx.add.f32.msk $0xffff, v1;
	v8 =	vadd.f32 v8, v3  }
0x179: {  	v11 =	vld [tilespmem:s14+$0x2020]  }
0x17a: {  	[tilespmem:v7+s21+$0x0] =	vst.idx.add.f32.msk $0xffff, v1;
	v8 =	vtrunc.f32 v8  }
0x17b: {  	v7 =	vld [tilespmem:s15+$0x2020];
	v8 =	vcvt.f32.s32 v8  }
0x17c: {  	v12 =	vmul.f32 v12, v2  }
0x17d: {  	[tilespmem:v10+s21+$0x0] =	vst.idx.add.f32.msk $0xffff, v1  }
0x17e: {  	v12 =	vadd.f32 v12, v3;
	v10 =	vld [tilespmem:s17+$0x2020]  }
0x17f: {  	v9 =	vadd.f32 v9, v3;
	v11 =	vmul.f32 v11, v2  }
0x180: {  	v12 =	vtrunc.f32 v12;
	v7 =	vmul.f32 v7, v2  }
0x181: {  	v9 =	vtrunc.f32 v9;
	v12 =	vcvt.f32.s32 v12;
	v11 =	vadd.f32 v11, v3;
	[tilespmem:v8+s21+$0x0] =	vst.idx.add.f32.msk $0xffff, v1  }
0x182: {  	v7 =	vadd.f32 v7, v3;
	v8 =	vcvt.f32.s32 v9;
	v9 =	vld [tilespmem:s28+$0x2020]  }
0x183: {  	v11 =	vtrunc.f32 v11;
	v10 =	vmul.f32 v10, v2  }
0x184: {  	[tilespmem:v6+s22+$0x0] =	vst.idx.add.f32.msk $0xffff, v1;
	v6 =	vcvt.f32.s32 v11;
	v7 =	vtrunc.f32 v7  }
0x185: {  	v7 =	vcvt.f32.s32 v7;
	v10 =	vadd.f32 v10, v3;
	_ =	sdelay $0x1  }
0x186: {  	[tilespmem:v12+s22+$0x0] =	vst.idx.add.f32.msk $0xffff, v1;
	v10 =	vtrunc.f32 v10;
	v9 =	vmul.f32 v9, v2  }
0x187: {  	v12 =	vld [tilespmem:s3+$0x2030];
	v10 =	vcvt.f32.s32 v10  }
0x188: {  	v11 =	vld [tilespmem:s0+$0x2030];
	v9 =	vadd.f32 v9, v3  }
0x189: {  	[tilespmem:v6+s22+$0x0] =	vst.idx.add.f32.msk $0xffff, v1  }
0x18a: {  	[tilespmem:v7+s22+$0x0] =	vst.idx.add.f32.msk $0xffff, v1;
	v9 =	vtrunc.f32 v9  }
0x18b: {  	v7 =	vld [tilespmem:s15+$0x2030];
	v6 =	vcvt.f32.s32 v9  }
0x18c: {  	[tilespmem:v8+s22+$0x0] =	vst.idx.add.f32.msk $0xffff, v1  }
0x18d: {  	v5 =	vmul.f32 v5, v2;
	[tilespmem:v10+s22+$0x0] =	vst.idx.add.f32.msk $0xffff, v1  }
0x18e: {  	v8 =	vld [tilespmem:s1+$0x2030]  }
0x18f: {  	v5 =	vadd.f32 v5, v3;
	v12 =	vmul.f32 v12, v2;
	v10 =	vld [tilespmem:s17+$0x2030]  }
0x190: {  	v11 =	vmul.f32 v11, v2;
	v9 =	vld [tilespmem:s14+$0x2030]  }
0x191: {  	v5 =	vtrunc.f32 v5;
	v12 =	vadd.f32 v12, v3;
	[tilespmem:v6+s22+$0x0] =	vst.idx.add.f32.msk $0xffff, v1  }
0x192: {  	v5 =	vcvt.f32.s32 v5;
	v11 =	vadd.f32 v11, v3;
	v6 =	vld [tilespmem:s28+$0x2030]  }
0x193: {  	v12 =	vtrunc.f32 v12;
	v7 =	vmul.f32 v7, v2  }
0x194: {  	v11 =	vtrunc.f32 v11;
	v8 =	vmul.f32 v8, v2  }
0x195: {  	v12 =	vcvt.f32.s32 v12;
	v7 =	vadd.f32 v7, v3;
	v10 =	vmul.f32 v10, v2  }
0x196: {  	v11 =	vcvt.f32.s32 v11;
	v8 =	vadd.f32 v8, v3;
	v9 =	vmul.f32 v9, v2  }
0x197: {  	v7 =	vtrunc.f32 v7;
	v10 =	vadd.f32 v10, v3;
	v6 =	vmul.f32 v6, v2  }
0x198: {  	[tilespmem:v4+s23+$0x0] =	vst.idx.add.f32.msk $0xffff, v1;
	v4 =	vcvt.f32.s32 v7;
	v8 =	vtrunc.f32 v8;
	v9 =	vadd.f32 v9, v3  }
0x199: {  	v7 =	vtrunc.f32 v10;
	v8 =	vcvt.f32.s32 v8;
	v6 =	vadd.f32 v6, v3  }
0x19a: {  	[tilespmem:v5+s23+$0x0] =	vst.idx.add.f32.msk $0xffff, v1;
	v5 =	vcvt.f32.s32 v7;
	v9 =	vtrunc.f32 v9  }
0x19b: {  	v9 =	vcvt.f32.s32 v9;
	v6 =	vtrunc.f32 v6  }
0x19c: {  	[tilespmem:v12+s23+$0x0] =	vst.idx.add.f32.msk $0xffff, v1;
	v6 =	vcvt.f32.s32 v6  }
0x19d: {  	[tilespmem:v11+s23+$0x0] =	vst.idx.add.f32.msk $0xffff, v1  }
0x19e: {  	s0 =	sadd.s32 @!p0 $0x6, s31;
	[tilespmem:v4+s23+$0x0] =	vst.idx.add.f32.msk $0xffff, v1  }
0x19f: {  	s1 =	sadd.s32 @!p0 s6, s0;
	s0 =	sshll.u32 @!p0 s0, $0x4;
	[tilespmem:v8+s23+$0x0] =	vst.idx.add.f32.msk $0xffff, v1  }
0x1a0: {  	s1 =	sshll.u32 @!p0 s1, $0x9;
	s0 =	sand.u32 @!p0 $0x60, s0;
	[tilespmem:v5+s23+$0x0] =	vst.idx.add.f32.msk $0xffff, v1  }
0x1a1: {  	s7 =	simm.s32 @!p0 $0x2000;
	s1 =	sand.u32 @!p0 $0xFFFF000, s1;
	s0 =	sadd.s32 @!p0 s2, s0;
	[tilespmem:v9+s23+$0x0] =	vst.idx.add.f32.msk $0xffff, v1  }
0x1a2: {  	s3 =	simm.s32 @!p0 $0x400;
	s0 =	sadd.s32 @!p0 s1, s0;
	s1 =	simm.s32 @!p0 $0x80;
	[tilespmem:v6+s23+$0x0] =	vst.idx.add.f32.msk $0xffff, v1  }
0x1a3: {  	[tilespmem:s7], [sflag:$0x3] =	stream.strided.gather @!p0 [hbm4b:s0+s1], $0x1000, s3, s1, $0x38;
	[tilespmem:$0x6880] =	vst v63  }
0x1a4: {  	_ =	swait.ge [sflag:s26], $0x1000  }
0x1a5: {  	[sflag:s26] =	ssyncset.done $0x0  }
0x1a6: {  	s8 =	simm.s32 $0x0;
	[sflag:s26] =	ssyncadd.s32 $0xFFFFF000  }
0x1a7: {  	v4 =	vld [tilespmem:s8+$0x3000];
	_ =	sdelay $0x4  }
0x1a8: {  	v4 =	vmul.f32 v4, v2;
	_ =	sdelay $0x1  }
0x1a9: {  	s28 =	simm.s32 $0x40;
	v4 =	vadd.f32 v4, v3  }
0x1aa: {  	v5 =	vld [tilespmem:s28+$0x3000]  }
0x1ab: {  	v4 =	vtrunc.f32 v4  }
0x1ac: {  	v4 =	vcvt.f32.s32 v4;
	_ =	sdelay $0x2  }
0x1ad: {  	v5 =	vmul.f32 v5, v2  }
0x1ae: {  	s0 =	simm.s32 $0x80  }
0x1af: {  	v6 =	vld [tilespmem:s0+$0x3000];
	v5 =	vadd.f32 v5, v3  }
0x1b0: {  	[tilespmem:v4+s20+$0x0] =	vst.idx.add.f32.msk $0xffff, v1  }
0x1b1: {  	v4 =	vtrunc.f32 v5;
	v5 =	vld [tilespmem:s8+$0x3010]  }
0x1b2: {  	v4 =	vcvt.f32.s32 v4;
	_ =	sdelay $0x1  }
0x1b3: {  	v6 =	vmul.f32 v6, v2;
	_ =	sdelay $0x1  }
0x1b4: {  	s1 =	simm.s32 $0xC0;
	v6 =	vadd.f32 v6, v3;
	v5 =	vmul.f32 v5, v2  }
0x1b5: {  	v7 =	vld [tilespmem:s1+$0x3000]  }
0x1b6: {  	[tilespmem:v4+s20+$0x0] =	vst.idx.add.f32.msk $0xffff, v1;
	v4 =	vtrunc.f32 v6;
	v5 =	vadd.f32 v5, v3  }
0x1b7: {  	v6 =	vld [tilespmem:s28+$0x3010];
	v4 =	vcvt.f32.s32 v4  }
0x1b8: {  	v5 =	vtrunc.f32 v5  }
0x1b9: {  	v5 =	vcvt.f32.s32 v5  }
0x1ba: {  	v7 =	vmul.f32 v7, v2  }
0x1bb: {  	s3 =	simm.s32 $0x100  }
0x1bc: {  	v8 =	vld [tilespmem:s3+$0x3000];
	v7 =	vadd.f32 v7, v3;
	v6 =	vmul.f32 v6, v2  }
0x1bd: {  	[tilespmem:v4+s20+$0x0] =	vst.idx.add.f32.msk $0xffff, v1  }
0x1be: {  	v4 =	vtrunc.f32 v7;
	v6 =	vadd.f32 v6, v3;
	v7 =	vld [tilespmem:s0+$0x3010]  }
0x1bf: {  	v4 =	vcvt.f32.s32 v4;
	[tilespmem:v5+s21+$0x0] =	vst.idx.add.f32.msk $0xffff, v1  }
0x1c0: {  	v5 =	vtrunc.f32 v6;
	v6 =	vld [tilespmem:s8+$0x3020]  }
0x1c1: {  	v8 =	vmul.f32 v8, v2;
	v5 =	vcvt.f32.s32 v5  }
0x1c2: {  	s14 =	simm.s32 $0x140  }
0x1c3: {  	v9 =	vld [tilespmem:s14+$0x3000];
	v8 =	vadd.f32 v8, v3;
	v7 =	vmul.f32 v7, v2;
	_ =	sdelay $0x1  }
0x1c4: {  	[tilespmem:v4+s20+$0x0] =	vst.idx.add.f32.msk $0xffff, v1;
	v4 =	vtrunc.f32 v8;
	v7 =	vadd.f32 v7, v3;
	v6 =	vmul.f32 v6, v2  }
0x1c5: {  	v8 =	vld [tilespmem:s1+$0x3010];
	v4 =	vcvt.f32.s32 v4  }
0x1c6: {  	[tilespmem:v5+s21+$0x0] =	vst.idx.add.f32.msk $0xffff, v1;
	v5 =	vtrunc.f32 v7;
	v6 =	vadd.f32 v6, v3  }
0x1c7: {  	v9 =	vmul.f32 v9, v2;
	v7 =	vld [tilespmem:s28+$0x3020];
	v5 =	vcvt.f32.s32 v5  }
0x1c8: {  	s15 =	simm.s32 $0x180;
	v6 =	vtrunc.f32 v6  }
0x1c9: {  	v10 =	vld [tilespmem:s15+$0x3000];
	v9 =	vadd.f32 v9, v3;
	v6 =	vcvt.f32.s32 v6  }
0x1ca: {  	v8 =	vmul.f32 v8, v2  }
0x1cb: {  	[tilespmem:v4+s20+$0x0] =	vst.idx.add.f32.msk $0xffff, v1;
	v4 =	vtrunc.f32 v9  }
0x1cc: {  	v9 =	vld [tilespmem:s3+$0x3010];
	v8 =	vadd.f32 v8, v3;
	v4 =	vcvt.f32.s32 v4;
	v7 =	vmul.f32 v7, v2  }
0x1cd: {  	[tilespmem:v5+s21+$0x0] =	vst.idx.add.f32.msk $0xffff, v1  }
0x1ce: {  	v10 =	vmul.f32 v10, v2;
	v5 =	vtrunc.f32 v8;
	v7 =	vadd.f32 v7, v3;
	v8 =	vld [tilespmem:s0+$0x3020]  }
0x1cf: {  	v5 =	vcvt.f32.s32 v5;
	[tilespmem:v6+s22+$0x0] =	vst.idx.add.f32.msk $0xffff, v1  }
0x1d0: {  	s17 =	simm.s32 $0x1C0;
	v10 =	vadd.f32 v10, v3;
	v6 =	vtrunc.f32 v7;
	v7 =	vld [tilespmem:s8+$0x3030]  }
0x1d1: {  	v11 =	vld [tilespmem:s17+$0x3000];
	v9 =	vmul.f32 v9, v2;
	v6 =	vcvt.f32.s32 v6  }
0x1d2: {  	[tilespmem:v4+s20+$0x0] =	vst.idx.add.f32.msk $0xffff, v1;
	v4 =	vtrunc.f32 v10  }
0x1d3: {  	v9 =	vadd.f32 v9, v3;
	v4 =	vcvt.f32.s32 v4;
	v8 =	vmul.f32 v8, v2  }
0x1d4: {  	v10 =	vld [tilespmem:s14+$0x3010]  }
0x1d5: {  	[tilespmem:v5+s21+$0x0] =	vst.idx.add.f32.msk $0xffff, v1;
	v5 =	vtrunc.f32 v9;
	v8 =	vadd.f32 v8, v3;
	v7 =	vmul.f32 v7, v2  }
0x1d6: {  	v9 =	vld [tilespmem:s1+$0x3020];
	v63 =	vcvt.f32.s32 v5  }
0x1d7: {  	v11 =	vmul.f32 v11, v2;
	[tilespmem:v6+s22+$0x0] =	vst.idx.add.f32.msk $0xffff, v1;
	v6 =	vtrunc.f32 v8;
	v7 =	vadd.f32 v7, v3  }
0x1d8: {  	v5 =	vld [tilespmem:s28+$0x3030];
	v6 =	vcvt.f32.s32 v6  }
0x1d9: {  	v11 =	vadd.f32 v11, v3;
	v10 =	vmul.f32 v10, v2;
	s28 =	simm.s32 $0x200;
	[tilespmem:v4+s20+$0x0] =	vst.idx.add.f32.msk $0xffff, v1;
	v7 =	vtrunc.f32 v7  }
0x1da: {  	v8 =	vld [tilespmem:s28+$0x3000];
	v4 =	vcvt.f32.s32 v7  }
0x1db: {  	v13 =	vtrunc.f32 v11;
	v11 =	vadd.f32 v10, v3;
	v9 =	vmul.f32 v9, v2;
	v7 =	vld [tilespmem:s15+$0x3010]  }
0x1dc: {  	s7 =	simm.s32 $0x900;
	v10 =	vcvt.f32.s32 v13;
	[tilespmem:v63+s21+$0x0] =	vst.idx.add.f32.msk $0xffff, v1  }
.LBB2_11:
0x1dd: {  	p1 =	sne.s32 s7, $0x3F00;
	v11 =	vtrunc.f32 v11;
	v12 =	vld [tilespmem:s3+$0x3020];
	v9 =	vadd.f32 v9, v3;
	v13 =	vmul.f32 v5, v2  }
0x1de: {  	v14 =	vcvt.f32.s32 v11;
	[tilespmem:v6+s22+$0x0] =	vst.idx.add.f32.msk $0xffff, v1  }
0x1df: {  	v11 =	vmul.f32 v8, v2;
	v6 =	vtrunc.f32 v9;
	v5 =	vld [tilespmem:s0+$0x3030];
	v9 =	vadd.f32 v13, v3;
	s0 =	smov.u32 s1;
	s1 =	smov.u32 s3;
	s3 =	smov.u32 s14  }
.Ltmp4:
0x1e0: {  	s8 =	sshra.s32 s7, $0x2;
	s14 =	smov.u32 s15;
	v6 =	vcvt.f32.s32 v6;
	[tilespmem:v4+s23+$0x0] =	vst.idx.add.f32.msk $0xffff, v1;
	(pc) =	sbr.rel @p1 .LBB2_11-.Ltmp4, $4  }
0x1e1: {  	s15 =	smov.u32 s17;
	s17 =	smov.u32 s28;
	s28 =	smov.u32 s8;
	v11 =	vadd.f32 v11, v3;
	v13 =	vmul.f32 v7, v2;
	v8 =	vld [tilespmem:s8+$0x3000];
	v4 =	vtrunc.f32 v9  }
0x1e2: {  	[tilespmem:v10+s20+$0x0] =	vst.idx.add.f32.msk $0xffff, v1;
	v4 =	vcvt.f32.s32 v4  }
0x1e3: {  	v10 =	vtrunc.f32 v11;
	v11 =	vadd.f32 v13, v3;
	v9 =	vmul.f32 v12, v2;
	v7 =	vld [tilespmem:s15+$0x3010]  }
0x1e4: {  	s7 =	sadd.s32 $0x100, s7;
	v10 =	vcvt.f32.s32 v10;
	[tilespmem:v14+s21+$0x0] =	vst.idx.add.f32.msk $0xffff, v1  }
0x1e5: {  	_ = 	snop  }
0x1e6: {  	v8 =	vmul.f32 v8, v2;
	_ =	sdelay $0x1  }
0x1e7: {  	v8 =	vadd.f32 v8, v3;
	_ =	sdelay $0x1  }
0x1e8: {  	v8 =	vtrunc.f32 v8  }
0x1e9: {  	v8 =	vcvt.f32.s32 v8;
	_ =	sdelay $0x3  }
0x1ea: {  	[tilespmem:v10+s20+$0x0] =	vst.idx.add.f32.msk $0xffff, v1  }
0x1eb: {  	v10 =	vld [tilespmem:s17+$0x3010]  }
0x1ec: {  	[tilespmem:v8+s20+$0x0] =	vst.idx.add.f32.msk $0xffff, v1  }
0x1ed: {  	v8 =	vld [tilespmem:s28+$0x3010]  }
0x1ee: {  	v7 =	vmul.f32 v7, v2  }
0x1ef: {  	v11 =	vtrunc.f32 v11  }
0x1f0: {  	v11 =	vcvt.f32.s32 v11;
	v7 =	vadd.f32 v7, v3;
	v10 =	vmul.f32 v10, v2;
	_ =	sdelay $0x1  }
0x1f1: {  	v7 =	vtrunc.f32 v7;
	v10 =	vadd.f32 v10, v3;
	v8 =	vmul.f32 v8, v2  }
0x1f2: {  	v7 =	vcvt.f32.s32 v7  }
0x1f3: {  	v10 =	vtrunc.f32 v10;
	v8 =	vadd.f32 v8, v3  }
0x1f4: {  	v12 =	vld [tilespmem:s3+$0x3020];
	v10 =	vcvt.f32.s32 v10  }
0x1f5: {  	[tilespmem:v11+s21+$0x0] =	vst.idx.add.f32.msk $0xffff, v1;
	v8 =	vtrunc.f32 v8  }
0x1f6: {  	v11 =	vld [tilespmem:s14+$0x3020];
	v8 =	vcvt.f32.s32 v8;
	_ =	sdelay $0x1  }
0x1f7: {  	[tilespmem:v7+s21+$0x0] =	vst.idx.add.f32.msk $0xffff, v1  }
0x1f8: {  	v12 =	vmul.f32 v12, v2;
	v7 =	vld [tilespmem:s15+$0x3020]  }
0x1f9: {  	v9 =	vadd.f32 v9, v3;
	[tilespmem:v10+s21+$0x0] =	vst.idx.add.f32.msk $0xffff, v1  }
0x1fa: {  	v12 =	vadd.f32 v12, v3;
	v11 =	vmul.f32 v11, v2;
	v10 =	vld [tilespmem:s17+$0x3020]  }
0x1fb: {  	v9 =	vtrunc.f32 v9;
	[tilespmem:v8+s21+$0x0] =	vst.idx.add.f32.msk $0xffff, v1  }
0x1fc: {  	v57 =	vcvt.f32.s32 v9;
	v12 =	vtrunc.f32 v12;
	v11 =	vadd.f32 v11, v3;
	v58 =	vld [tilespmem:s28+$0x3020]  }
0x1fd: {  	v12 =	vcvt.f32.s32 v12;
	v7 =	vmul.f32 v7, v2  }
0x1fe: {  	v11 =	vtrunc.f32 v11  }
0x1ff: {  	v59 =	vcvt.f32.s32 v11;
	v7 =	vadd.f32 v7, v3;
	v10 =	vmul.f32 v10, v2  }
0x200: {  	[tilespmem:v6+s22+$0x0] =	vst.idx.add.f32.msk $0xffff, v1  }
0x201: {  	v60 =	vld [tilespmem:s0+$0x3030];
	v7 =	vtrunc.f32 v7;
	v10 =	vadd.f32 v10, v3;
	v9 =	vmul.f32 v58, v2  }
0x202: {  	[tilespmem:v57+s22+$0x0] =	vst.idx.add.f32.msk $0xffff, v1;
	v7 =	vcvt.f32.s32 v7  }
0x203: {  	[tilespmem:v12+s22+$0x0] =	vst.idx.add.f32.msk $0xffff, v1;
	v10 =	vtrunc.f32 v10;
	v9 =	vadd.f32 v9, v3  }
0x204: {  	v12 =	vld [tilespmem:s3+$0x3030];
	v10 =	vcvt.f32.s32 v10  }
0x205: {  	[tilespmem:v59+s22+$0x0] =	vst.idx.add.f32.msk $0xffff, v1;
	v9 =	vtrunc.f32 v9  }
0x206: {  	v62 =	vld [tilespmem:s14+$0x3030];
	v61 =	vcvt.f32.s32 v9  }
0x207: {  	v8 =	vld [tilespmem:s1+$0x3030]  }
0x208: {  	v5 =	vmul.f32 v5, v2;
	[tilespmem:v7+s22+$0x0] =	vst.idx.add.f32.msk $0xffff, v1  }
0x209: {  	v7 =	vld [tilespmem:s15+$0x3030]  }
0x20a: {  	v5 =	vadd.f32 v5, v3;
	v11 =	vmul.f32 v60, v2;
	[tilespmem:v10+s22+$0x0] =	vst.idx.add.f32.msk $0xffff, v1  }
0x20b: {  	v10 =	vld [tilespmem:s17+$0x3030]  }
0x20c: {  	v5 =	vtrunc.f32 v5;
	v11 =	vadd.f32 v11, v3;
	v12 =	vmul.f32 v12, v2;
	[tilespmem:v61+s22+$0x0] =	vst.idx.add.f32.msk $0xffff, v1  }
0x20d: {  	v5 =	vcvt.f32.s32 v5;
	v6 =	vld [tilespmem:s28+$0x3030]  }
0x20e: {  	v11 =	vtrunc.f32 v11;
	v12 =	vadd.f32 v12, v3;
	v8 =	vmul.f32 v8, v2  }
0x20f: {  	v11 =	vcvt.f32.s32 v11;
	v7 =	vmul.f32 v7, v2  }
0x210: {  	v12 =	vtrunc.f32 v12;
	v8 =	vadd.f32 v8, v3;
	v9 =	vmul.f32 v62, v2  }
0x211: {  	v12 =	vcvt.f32.s32 v12;
	v7 =	vadd.f32 v7, v3;
	v10 =	vmul.f32 v10, v2  }
0x212: {  	v8 =	vtrunc.f32 v8;
	v9 =	vadd.f32 v9, v3;
	v6 =	vmul.f32 v6, v2  }
0x213: {  	v8 =	vcvt.f32.s32 v8;
	v7 =	vtrunc.f32 v7;
	v10 =	vadd.f32 v10, v3  }
0x214: {  	[tilespmem:v4+s23+$0x0] =	vst.idx.add.f32.msk $0xffff, v1;
	v4 =	vcvt.f32.s32 v7;
	v9 =	vtrunc.f32 v9;
	v6 =	vadd.f32 v6, v3  }
0x215: {  	v9 =	vcvt.f32.s32 v9;
	v63 =	vtrunc.f32 v10  }
0x216: {  	[tilespmem:v5+s23+$0x0] =	vst.idx.add.f32.msk $0xffff, v1;
	v5 =	vcvt.f32.s32 v63;
	v6 =	vtrunc.f32 v6  }
0x217: {  	[tilespmem:v11+s23+$0x0] =	vst.idx.add.f32.msk $0xffff, v1;
	v6 =	vcvt.f32.s32 v6  }
0x218: {  	[tilespmem:v12+s23+$0x0] =	vst.idx.add.f32.msk $0xffff, v1  }
.Ltmp5:
0x219: {  	[tilespmem:v8+s23+$0x0] =	vst.idx.add.f32.msk $0xffff, v1;
	(pc) =	sbr.rel @p0 .LBB2_14-.Ltmp5, $4  }
0x21a: {  	[tilespmem:v4+s23+$0x0] =	vst.idx.add.f32.msk $0xffff, v1  }
0x21b: {  	[tilespmem:v9+s23+$0x0] =	vst.idx.add.f32.msk $0xffff, v1  }
0x21c: {  	[tilespmem:v5+s23+$0x0] =	vst.idx.add.f32.msk $0xffff, v1  }
0x21d: {  	[tilespmem:v6+s23+$0x0] =	vst.idx.add.f32.msk $0xffff, v1  }
0x21e: {  	s0 =	sadd.s32 $0x7, s31  }
.Ltmp6:
0x21f: {  	s1 =	sadd.s32 s6, s0;
	s0 =	sshll.u32 s0, $0x4;
	(pc) =	sbr.rel .LBB2_4-.Ltmp6, $4  }
0x220: {  	s1 =	sshll.u32 s1, $0x9;
	s0 =	sand.u32 $0x70, s0  }
0x221: {  	s1 =	sand.u32 $0xFFFF000, s1;
	s0 =	sadd.s32 s2, s0  }
0x222: {  	s30 =	sadd.s32 $0x1, s30;
	s0 =	sadd.s32 s1, s0  }
0x223: {  	[tilespmem:s16], [sflag:$0x4] =	stream.strided.gather [hbm4b:s0+s12], $0x1000, s13, s12, $0x38;
	[tilespmem:$0x6880] =	vst v63  }
.LBB2_14:
0x224: {  	s0 =	simm.s32 $0x0  }
0x225: {  	v2 =	vld [tilespmem:s0+$0x4800]  }
0x226: {  	v3 =	vld [tilespmem:s0+$0x5000];
	_ =	sdelay $0x1  }
0x227: {  	v4 =	vld [tilespmem:s0+$0x5800];
	_ =	sdelay $0x2  }
0x228: {  	s1 =	simm.s32 $0x10;
	v5 =	vld [tilespmem:s0+$0x6000];
	v3 =	vadd.f32 v3, v2  }
0x229: {  	v2 =	vld [tilespmem:s1+$0x4800]  }
0x22a: {  	v6 =	vadd.f32 v4, v3;
	v4 =	vld [tilespmem:s1+$0x5000];
	_ =	sdelay $0x1  }
0x22b: {  	v3 =	vld [tilespmem:s1+$0x5800]  }
0x22c: {  	s3 =	simm.s32 $0x80;
	v5 =	vadd.f32 v5, v6  }
.LBB2_15:
0x22d: {  	s7 =	sshra.s32 s3, $0x2;
	v6 =	vld [tilespmem:s1+$0x6000];
	p0 =	sne.s32 s3, $0x1FC0  }
.Ltmp7:
0x22e: {  	s3 =	sadd.s32 $0x40, s3;
	v7 =	vadd.f32 v4, v2;
	v2 =	vld [tilespmem:s7+$0x4800];
	[tilespmem:s0+$0x4000] =	vst v5;
	(pc) =	sbr.rel @p0 .LBB2_15-.Ltmp7, $4  }
0x22f: {  	s0 =	smov.u32 s1;
	s1 =	smov.u32 s7;
	v4 =	vld [tilespmem:s7+$0x5000]  }
0x230: {  	v5 =	vadd.f32 v3, v7  }
0x231: {  	v3 =	vld [tilespmem:s1+$0x5800]  }
0x232: {  	v5 =	vadd.f32 v6, v5  }
0x233: {  	v6 =	vld [tilespmem:s1+$0x6000]  }
0x234: {  	v2 =	vadd.f32 v4, v2;
	_ =	sdelay $0x1  }
0x235: {  	v2 =	vadd.f32 v3, v2;
	_ =	sdelay $0x1  }
0x236: {  	s29 =	sadd.s32 $0x1, s29;
	v2 =	vadd.f32 v6, v2  }
0x237: {  	[tilespmem:s0+$0x4000] =	vst v5;
	p0 =	sne.s32 s29, s11  }
.Ltmp8:
0x238: {  	s31 =	simm.s32 $0x4000;
	[tilespmem:s1+$0x4000] =	vst v2;
	(pc) =	sbr.rel @p0 .LBB2_1-.Ltmp8, $4  }
0x239: {  	[hbm4b:s10+s4] =	stream.linear.scatter [tilespmem:s31], [sflag:$0x5], $0x800, $0x38;
	[tilespmem:$0x6880] =	vst v63  }
0x23a: {  	_ =	swait.ge [sflag:s18], $0x800  }
0x23b: {  	[sflag:s18] =	ssyncset.done $0x0  }
0x23c: {  	[sflag:s18] =	ssyncadd.s32 $0xFFFFF800  }
0x23d: {  	_ =	sfence.sel $0x180000  }
0x23e: {  	[bflag:$0x0] =	sbarrier.arrive $0xFFFF  }
0x23f: {  	_ =	strace $0x90000047  }
0x240: {  	s0 =	stileid.u32;
	[bflag:$0x2] =	sbarrier.arrive $0xFFFF  }
0x241: {  	p0 =	sne.s32 s0, $0x0;
	s0 =	rddreg [dreg:$0x3]  }
0x242: {  	s0 =	sadd.s32 @!p0 $0x100000, s0  }
0x243: {  	[sflag:s0] =	ssyncadd.tile.s32 @!p0 $0x1;
	_ =	shalt  }
.Lfunc_end2:
_tile_overlayer_lowered:
.L_overlay_start_2:
0x244: {  	(tag) =	ssettag $0x2  }
0x245: {  	s0 =	rddreg [dreg:$0x0];
	s2 =	stileid.u32  }
0x246: {  	s1 =	rddreg [dreg:$0x1];
	p0 =	sne.s32 s2, $0x0  }
0x247: {  	s3 =	rddreg [dreg:$0x2];
	[bflag:$0x3] =	sbarrier.arrive $0xFFFF;
	s2 =	simm.s32 @!p0 $0x1C05  }
0x248: {  	[timem:s3], [sflag:s2] =	dma.local @!p0 [hbm:s0], s1  }
0x249: {  	s0 =	simm.s32 @!p0 $0x5  }
0x24a: {  	_ =	swait.ge @!p0 [sflag:s0], s1  }
0x24b: {  	s1 =	ssub.s32 @!p0 $0x0, s1;
	[sflag:s0] =	ssyncset.done @!p0 $0x0  }
0x24c: {  	[sflag:s0] =	ssyncadd.s32 @!p0 s1  }
0x24d: {  	[bflag:$0x3] =	sbarrier.arrive $0xFFFF  }
0x24e: {  	_ =	shalt  }

</sc_bundles>
